<compile_context>
chip_gen: v7x
topology: tpu7x:2x2x1
jax: 0.10.2.dev20260603
libtpu: 0.0.44.dev20260713+nightly
codegen_flags: <defaults>
</compile_context>

<pallas_src>
import functools

import jax
import jax.numpy as jnp
from jax import lax
from jax.experimental import pallas as pl
from jax.experimental.pallas import tpu as pltpu
from jax.experimental.pallas import tpu_sc as plsc


@functools.lru_cache(maxsize=None)
def _make_flip_gather(L: int, H: int):
    info = plsc.get_sparse_core_info()
    NC, NS, LANES = info.num_cores, info.num_subcores, info.num_lanes
    NW = NC * NS
    rows_per_w = L // NW
    C = 32
    NBUF = 3
    n_chunks = rows_per_w // C

    mesh = plsc.VectorSubcoreMesh(core_axis_name="c", subcore_axis_name="s")

    @functools.partial(
        pl.kernel,
        mesh=mesh,
        out_type=jax.ShapeDtypeStruct((L, H), jnp.float32),
        scratch_types=[
            pltpu.VMEM((n_chunks, C), jnp.int32),
            pltpu.VMEM((NBUF, C, H), jnp.float32),
            pltpu.SemaphoreType.DMA,
            pltpu.SemaphoreType.DMA,
            pltpu.SemaphoreType.DMA,
            pltpu.SemaphoreType.DMA,
            pltpu.SemaphoreType.DMA,
            pltpu.SemaphoreType.DMA,
        ],
    )
    def flip_gather(table_hbm, out_hbm, idx_v, buf_v, g0, g1, g2, w0, w1, w2):
        gsem = (g0, g1, g2)
        wsem = (w0, w1, w2)
        wid = lax.axis_index("s") * NC + lax.axis_index("c")
        base = wid * rows_per_w
        top = (L - 1) - base
        for c in range(n_chunks):
            for i in range(C // LANES):
                idx_v[c, pl.ds(i * LANES, LANES)] = (
                    (top - c * C - i * LANES) - lax.iota(jnp.int32, LANES)
                )

        def gather(c):
            b = c % NBUF
            return pltpu.async_copy(
                table_hbm.at[idx_v.at[c]], buf_v.at[b], gsem[b]
            )

        gops, wops = {}, {}
        for c in range(min(2, n_chunks)):
            gops[c] = gather(c)
        for c in range(n_chunks):
            b = c % NBUF
            gops[c].wait()
            wops[c] = pltpu.async_copy(
                buf_v.at[b], out_hbm.at[pl.ds(base + c * C, C)], wsem[b]
            )
            if c + 2 < n_chunks:
                if c >= 1:
                    wops[c - 1].wait()
                gops[c + 2] = gather(c + 2)
        wops[n_chunks - 3].wait()
        wops[n_chunks - 2].wait()
        wops[n_chunks - 1].wait()

    return flip_gather


def kernel(hidden_states, pos_table):
    L = hidden_states.shape[1]
    H = pos_table.shape[1]
    out = _make_flip_gather(L, H)(pos_table)
    return out.reshape(1, L, H)

# --- scband reference (transcript-rebuilt; emitter-appended) ---
"""Pipeline reference for scband-positional-encoder-73349451481701 (READ-ONLY COPY).

The authoritative reference and input builder live on the scoring server;
editing this copy changes nothing except your own understanding.
"""

import jax, jax.numpy as jnp
import numpy as np

MAX_LENGTH = 8192
HIDDEN_SIZE = 1024
BATCH = 4
SEQ_LEN = 8192

def setup_inputs(seed: int = 0) -> dict:
    key = jax.random.key(seed)
    k1, k2 = jax.random.split(key)
    hidden_states = jax.random.normal(k1, (BATCH, SEQ_LEN, HIDDEN_SIZE), dtype=jnp.float32)
    # nn.Embedding weight, N(0,1) init like torch default
    pos_table = jax.random.normal(k2, (MAX_LENGTH, HIDDEN_SIZE), dtype=jnp.float32)
    return {"hidden_states": hidden_states, "pos_table": pos_table}

def reference(hidden_states, pos_table):
    # max_length = hidden_states.size(1)
    L = hidden_states.shape[1]
    # position_ids = arange(0, L).flip(0)
    position_ids = jnp.flip(jnp.arange(L, dtype=jnp.int32), axis=0)
    # embedding lookup -> gather rows, then unsqueeze(0)
    position_embeddings = jnp.take(pos_table, position_ids, axis=0)[None, :, :]
    return position_embeddings

if __name__ == "__main__":
    import jax
    _d = setup_inputs()
    print(jax.jit(kernel)(*tuple(_d.values())))

</pallas_src>

<mosaic_0001>
#map = affine_map<(d0, d1) -> (0, 0)>
module attributes {stable_mosaic.version = 14 : i64} {
  func.func @flip_gather(%arg0: i32, %arg1: i32, %arg2: memref<8192x1024xf32, #tpu.memory_space<hbm>>, %arg3: memref<8192x1024xf32, #tpu.memory_space<hbm>>, %arg4: memref<8x32xi32, #tpu.memory_space<vmem>>, %arg5: memref<3x32x1024xf32, #tpu.memory_space<vmem>>, %arg6: memref<!tpu.dma_semaphore, #tpu.memory_space<semaphore_mem>>, %arg7: memref<!tpu.dma_semaphore, #tpu.memory_space<semaphore_mem>>, %arg8: memref<!tpu.dma_semaphore, #tpu.memory_space<semaphore_mem>>, %arg9: memref<!tpu.dma_semaphore, #tpu.memory_space<semaphore_mem>>, %arg10: memref<!tpu.dma_semaphore, #tpu.memory_space<semaphore_mem>>, %arg11: memref<!tpu.dma_semaphore, #tpu.memory_space<semaphore_mem>>) attributes {dimension_semantics = [#tpu.dimension_semantics<core_parallel>, #tpu.dimension_semantics<subcore_parallel>], iteration_bounds = array<i64: 2, 16>, scalar_prefetch = 0 : i64, scratch_operands = 8 : i64, tpu.core_type = #tpu.core_type<sc_vector_subcore>, window_params = [{transform_indices = #map}, {transform_indices = #map}]} {
    %mul3A = arith.constant 2 : i32
    %mul3A_0 = arith.muli %arg1, %mul3A : i32
    %add3A = arith.addi %mul3A_0, %arg0 : i32
    %mul3A_1 = arith.constant 256 : i32
    %mul3A_2 = arith.muli %add3A, %mul3A_1 : i32
    %sub3A = arith.constant 8191 : i32
    %sub3A_3 = arith.subi %sub3A, %mul3A_2 : i32
    %sub3A_4 = arith.constant 0 : i32
    %sub3A_5 = arith.subi %sub3A_3, %sub3A_4 : i32
    %sub3A_6 = arith.constant 0 : i32
    %sub3A_7 = arith.subi %sub3A_5, %sub3A_6 : i32
    %iota3A = tpu.iota {dimensions = array<i32: 0>} : vector<16xi32>
    %sub3A_8 = vector.broadcast %sub3A_7 : i32 to vector<16xi32>
    %sub3A_9 = arith.subi %sub3A_8, %iota3A : vector<16xi32>
    %swap3A = arith.constant 0 : i32
    %swap3A_10 = arith.index_cast %swap3A : i32 to index
    %swap3A_11 = arith.constant 0 : index
    %swap3A_12 = tpu.vector_load %arg4[%swap3A_10, %swap3A_11] {strides = array<i32>} : memref<8x32xi32, #tpu.memory_space<vmem>>, vector<1x16xi32>,
    %swap3A_13 = vector.shape_cast %swap3A_12 : vector<1x16xi32> to vector<16xi32>
    %swap3A_14 = vector.shape_cast %sub3A_9 : vector<16xi32> to vector<1x16xi32>
    tpu.vector_store %arg4[%swap3A_10, %swap3A_11], %swap3A_14 {strides = array<i32>} : memref<8x32xi32, #tpu.memory_space<vmem>>, vector<1x16xi32>,
    %sub3A_15 = arith.constant 0 : i32
    %sub3A_16 = arith.subi %sub3A_3, %sub3A_15 : i32
    %sub3A_17 = arith.constant 16 : i32
    %sub3A_18 = arith.subi %sub3A_16, %sub3A_17 : i32
    %iota3A_19 = tpu.iota {dimensions = array<i32: 0>} : vector<16xi32>
    %sub3A_20 = vector.broadcast %sub3A_18 : i32 to vector<16xi32>
    %sub3A_21 = arith.subi %sub3A_20, %iota3A_19 : vector<16xi32>
    %swap3A_22 = arith.constant 0 : i32
    %swap3A_23 = arith.index_cast %swap3A_22 : i32 to index
    %swap3A_24 = arith.constant 16 : index
    %swap3A_25 = tpu.vector_load %arg4[%swap3A_23, %swap3A_24] {strides = array<i32>} : memref<8x32xi32, #tpu.memory_space<vmem>>, vector<1x16xi32>,
    %swap3A_26 = vector.shape_cast %swap3A_25 : vector<1x16xi32> to vector<16xi32>
    %swap3A_27 = vector.shape_cast %sub3A_21 : vector<16xi32> to vector<1x16xi32>
    tpu.vector_store %arg4[%swap3A_23, %swap3A_24], %swap3A_27 {strides = array<i32>} : memref<8x32xi32, #tpu.memory_space<vmem>>, vector<1x16xi32>,
    %sub3A_28 = arith.constant 32 : i32
    %sub3A_29 = arith.subi %sub3A_3, %sub3A_28 : i32
    %sub3A_30 = arith.constant 0 : i32
    %sub3A_31 = arith.subi %sub3A_29, %sub3A_30 : i32
    %iota3A_32 = tpu.iota {dimensions = array<i32: 0>} : vector<16xi32>
    %sub3A_33 = vector.broadcast %sub3A_31 : i32 to vector<16xi32>
    %sub3A_34 = arith.subi %sub3A_33, %iota3A_32 : vector<16xi32>
    %swap3A_35 = arith.constant 1 : i32
    %swap3A_36 = arith.index_cast %swap3A_35 : i32 to index
    %swap3A_37 = arith.constant 0 : index
    %swap3A_38 = tpu.vector_load %arg4[%swap3A_36, %swap3A_37] {strides = array<i32>} : memref<8x32xi32, #tpu.memory_space<vmem>>, vector<1x16xi32>,
    %swap3A_39 = vector.shape_cast %swap3A_38 : vector<1x16xi32> to vector<16xi32>
    %swap3A_40 = vector.shape_cast %sub3A_34 : vector<16xi32> to vector<1x16xi32>
    tpu.vector_store %arg4[%swap3A_36, %swap3A_37], %swap3A_40 {strides = array<i32>} : memref<8x32xi32, #tpu.memory_space<vmem>>, vector<1x16xi32>,
    %sub3A_41 = arith.constant 32 : i32
    %sub3A_42 = arith.subi %sub3A_3, %sub3A_41 : i32
    %sub3A_43 = arith.constant 16 : i32
    %sub3A_44 = arith.subi %sub3A_42, %sub3A_43 : i32
    %iota3A_45 = tpu.iota {dimensions = array<i32: 0>} : vector<16xi32>
    %sub3A_46 = vector.broadcast %sub3A_44 : i32 to vector<16xi32>
    %sub3A_47 = arith.subi %sub3A_46, %iota3A_45 : vector<16xi32>
    %swap3A_48 = arith.constant 1 : i32
    %swap3A_49 = arith.index_cast %swap3A_48 : i32 to index
    %swap3A_50 = arith.constant 16 : index
    %swap3A_51 = tpu.vector_load %arg4[%swap3A_49, %swap3A_50] {strides = array<i32>} : memref<8x32xi32, #tpu.memory_space<vmem>>, vector<1x16xi32>,
    %swap3A_52 = vector.shape_cast %swap3A_51 : vector<1x16xi32> to vector<16xi32>
    %swap3A_53 = vector.shape_cast %sub3A_47 : vector<16xi32> to vector<1x16xi32>
    tpu.vector_store %arg4[%swap3A_49, %swap3A_50], %swap3A_53 {strides = array<i32>} : memref<8x32xi32, #tpu.memory_space<vmem>>, vector<1x16xi32>,
    %sub3A_54 = arith.constant 64 : i32
    %sub3A_55 = arith.subi %sub3A_3, %sub3A_54 : i32
    %sub3A_56 = arith.constant 0 : i32
    %sub3A_57 = arith.subi %sub3A_55, %sub3A_56 : i32
    %iota3A_58 = tpu.iota {dimensions = array<i32: 0>} : vector<16xi32>
    %sub3A_59 = vector.broadcast %sub3A_57 : i32 to vector<16xi32>
    %sub3A_60 = arith.subi %sub3A_59, %iota3A_58 : vector<16xi32>
    %swap3A_61 = arith.constant 2 : i32
    %swap3A_62 = arith.index_cast %swap3A_61 : i32 to index
    %swap3A_63 = arith.constant 0 : index
    %swap3A_64 = tpu.vector_load %arg4[%swap3A_62, %swap3A_63] {strides = array<i32>} : memref<8x32xi32, #tpu.memory_space<vmem>>, vector<1x16xi32>,
    %swap3A_65 = vector.shape_cast %swap3A_64 : vector<1x16xi32> to vector<16xi32>
    %swap3A_66 = vector.shape_cast %sub3A_60 : vector<16xi32> to vector<1x16xi32>
    tpu.vector_store %arg4[%swap3A_62, %swap3A_63], %swap3A_66 {strides = array<i32>} : memref<8x32xi32, #tpu.memory_space<vmem>>, vector<1x16xi32>,
    %sub3A_67 = arith.constant 64 : i32
    %sub3A_68 = arith.subi %sub3A_3, %sub3A_67 : i32
    %sub3A_69 = arith.constant 16 : i32
    %sub3A_70 = arith.subi %sub3A_68, %sub3A_69 : i32
    %iota3A_71 = tpu.iota {dimensions = array<i32: 0>} : vector<16xi32>
    %sub3A_72 = vector.broadcast %sub3A_70 : i32 to vector<16xi32>
    %sub3A_73 = arith.subi %sub3A_72, %iota3A_71 : vector<16xi32>
    %swap3A_74 = arith.constant 2 : i32
    %swap3A_75 = arith.index_cast %swap3A_74 : i32 to index
    %swap3A_76 = arith.constant 16 : index
    %swap3A_77 = tpu.vector_load %arg4[%swap3A_75, %swap3A_76] {strides = array<i32>} : memref<8x32xi32, #tpu.memory_space<vmem>>, vector<1x16xi32>,
    %swap3A_78 = vector.shape_cast %swap3A_77 : vector<1x16xi32> to vector<16xi32>
    %swap3A_79 = vector.shape_cast %sub3A_73 : vector<16xi32> to vector<1x16xi32>
    tpu.vector_store %arg4[%swap3A_75, %swap3A_76], %swap3A_79 {strides = array<i32>} : memref<8x32xi32, #tpu.memory_space<vmem>>, vector<1x16xi32>,
    %sub3A_80 = arith.constant 96 : i32
    %sub3A_81 = arith.subi %sub3A_3, %sub3A_80 : i32
    %sub3A_82 = arith.constant 0 : i32
    %sub3A_83 = arith.subi %sub3A_81, %sub3A_82 : i32
    %iota3A_84 = tpu.iota {dimensions = array<i32: 0>} : vector<16xi32>
    %sub3A_85 = vector.broadcast %sub3A_83 : i32 to vector<16xi32>
    %sub3A_86 = arith.subi %sub3A_85, %iota3A_84 : vector<16xi32>
    %swap3A_87 = arith.constant 3 : i32
    %swap3A_88 = arith.index_cast %swap3A_87 : i32 to index
    %swap3A_89 = arith.constant 0 : index
    %swap3A_90 = tpu.vector_load %arg4[%swap3A_88, %swap3A_89] {strides = array<i32>} : memref<8x32xi32, #tpu.memory_space<vmem>>, vector<1x16xi32>,
    %swap3A_91 = vector.shape_cast %swap3A_90 : vector<1x16xi32> to vector<16xi32>
    %swap3A_92 = vector.shape_cast %sub3A_86 : vector<16xi32> to vector<1x16xi32>
    tpu.vector_store %arg4[%swap3A_88, %swap3A_89], %swap3A_92 {strides = array<i32>} : memref<8x32xi32, #tpu.memory_space<vmem>>, vector<1x16xi32>,
    %sub3A_93 = arith.constant 96 : i32
    %sub3A_94 = arith.subi %sub3A_3, %sub3A_93 : i32
    %sub3A_95 = arith.constant 16 : i32
    %sub3A_96 = arith.subi %sub3A_94, %sub3A_95 : i32
    %iota3A_97 = tpu.iota {dimensions = array<i32: 0>} : vector<16xi32>
    %sub3A_98 = vector.broadcast %sub3A_96 : i32 to vector<16xi32>
    %sub3A_99 = arith.subi %sub3A_98, %iota3A_97 : vector<16xi32>
    %swap3A_100 = arith.constant 3 : i32
    %swap3A_101 = arith.index_cast %swap3A_100 : i32 to index
    %swap3A_102 = arith.constant 16 : index
    %swap3A_103 = tpu.vector_load %arg4[%swap3A_101, %swap3A_102] {strides = array<i32>} : memref<8x32xi32, #tpu.memory_space<vmem>>, vector<1x16xi32>,
    %swap3A_104 = vector.shape_cast %swap3A_103 : vector<1x16xi32> to vector<16xi32>
    %swap3A_105 = vector.shape_cast %sub3A_99 : vector<16xi32> to vector<1x16xi32>
    tpu.vector_store %arg4[%swap3A_101, %swap3A_102], %swap3A_105 {strides = array<i32>} : memref<8x32xi32, #tpu.memory_space<vmem>>, vector<1x16xi32>,
    %sub3A_106 = arith.constant 128 : i32
    %sub3A_107 = arith.subi %sub3A_3, %sub3A_106 : i32
    %sub3A_108 = arith.constant 0 : i32
    %sub3A_109 = arith.subi %sub3A_107, %sub3A_108 : i32
    %iota3A_110 = tpu.iota {dimensions = array<i32: 0>} : vector<16xi32>
    %sub3A_111 = vector.broadcast %sub3A_109 : i32 to vector<16xi32>
    %sub3A_112 = arith.subi %sub3A_111, %iota3A_110 : vector<16xi32>
    %swap3A_113 = arith.constant 4 : i32
    %swap3A_114 = arith.index_cast %swap3A_113 : i32 to index
    %swap3A_115 = arith.constant 0 : index
    %swap3A_116 = tpu.vector_load %arg4[%swap3A_114, %swap3A_115] {strides = array<i32>} : memref<8x32xi32, #tpu.memory_space<vmem>>, vector<1x16xi32>,
    %swap3A_117 = vector.shape_cast %swap3A_116 : vector<1x16xi32> to vector<16xi32>
    %swap3A_118 = vector.shape_cast %sub3A_112 : vector<16xi32> to vector<1x16xi32>
    tpu.vector_store %arg4[%swap3A_114, %swap3A_115], %swap3A_118 {strides = array<i32>} : memref<8x32xi32, #tpu.memory_space<vmem>>, vector<1x16xi32>,
    %sub3A_119 = arith.constant 128 : i32
    %sub3A_120 = arith.subi %sub3A_3, %sub3A_119 : i32
    %sub3A_121 = arith.constant 16 : i32
    %sub3A_122 = arith.subi %sub3A_120, %sub3A_121 : i32
    %iota3A_123 = tpu.iota {dimensions = array<i32: 0>} : vector<16xi32>
    %sub3A_124 = vector.broadcast %sub3A_122 : i32 to vector<16xi32>
    %sub3A_125 = arith.subi %sub3A_124, %iota3A_123 : vector<16xi32>
    %swap3A_126 = arith.constant 4 : i32
    %swap3A_127 = arith.index_cast %swap3A_126 : i32 to index
    %swap3A_128 = arith.constant 16 : index
    %swap3A_129 = tpu.vector_load %arg4[%swap3A_127, %swap3A_128] {strides = array<i32>} : memref<8x32xi32, #tpu.memory_space<vmem>>, vector<1x16xi32>,
    %swap3A_130 = vector.shape_cast %swap3A_129 : vector<1x16xi32> to vector<16xi32>
    %swap3A_131 = vector.shape_cast %sub3A_125 : vector<16xi32> to vector<1x16xi32>
    tpu.vector_store %arg4[%swap3A_127, %swap3A_128], %swap3A_131 {strides = array<i32>} : memref<8x32xi32, #tpu.memory_space<vmem>>, vector<1x16xi32>,
    %sub3A_132 = arith.constant 160 : i32
    %sub3A_133 = arith.subi %sub3A_3, %sub3A_132 : i32
    %sub3A_134 = arith.constant 0 : i32
    %sub3A_135 = arith.subi %sub3A_133, %sub3A_134 : i32
    %iota3A_136 = tpu.iota {dimensions = array<i32: 0>} : vector<16xi32>
    %sub3A_137 = vector.broadcast %sub3A_135 : i32 to vector<16xi32>
    %sub3A_138 = arith.subi %sub3A_137, %iota3A_136 : vector<16xi32>
    %swap3A_139 = arith.constant 5 : i32
    %swap3A_140 = arith.index_cast %swap3A_139 : i32 to index
    %swap3A_141 = arith.constant 0 : index
    %swap3A_142 = tpu.vector_load %arg4[%swap3A_140, %swap3A_141] {strides = array<i32>} : memref<8x32xi32, #tpu.memory_space<vmem>>, vector<1x16xi32>,
    %swap3A_143 = vector.shape_cast %swap3A_142 : vector<1x16xi32> to vector<16xi32>
    %swap3A_144 = vector.shape_cast %sub3A_138 : vector<16xi32> to vector<1x16xi32>
    tpu.vector_store %arg4[%swap3A_140, %swap3A_141], %swap3A_144 {strides = array<i32>} : memref<8x32xi32, #tpu.memory_space<vmem>>, vector<1x16xi32>,
    %sub3A_145 = arith.constant 160 : i32
    %sub3A_146 = arith.subi %sub3A_3, %sub3A_145 : i32
    %sub3A_147 = arith.constant 16 : i32
    %sub3A_148 = arith.subi %sub3A_146, %sub3A_147 : i32
    %iota3A_149 = tpu.iota {dimensions = array<i32: 0>} : vector<16xi32>
    %sub3A_150 = vector.broadcast %sub3A_148 : i32 to vector<16xi32>
    %sub3A_151 = arith.subi %sub3A_150, %iota3A_149 : vector<16xi32>
    %swap3A_152 = arith.constant 5 : i32
    %swap3A_153 = arith.index_cast %swap3A_152 : i32 to index
    %swap3A_154 = arith.constant 16 : index
    %swap3A_155 = tpu.vector_load %arg4[%swap3A_153, %swap3A_154] {strides = array<i32>} : memref<8x32xi32, #tpu.memory_space<vmem>>, vector<1x16xi32>,
    %swap3A_156 = vector.shape_cast %swap3A_155 : vector<1x16xi32> to vector<16xi32>
    %swap3A_157 = vector.shape_cast %sub3A_151 : vector<16xi32> to vector<1x16xi32>
    tpu.vector_store %arg4[%swap3A_153, %swap3A_154], %swap3A_157 {strides = array<i32>} : memref<8x32xi32, #tpu.memory_space<vmem>>, vector<1x16xi32>,
    %sub3A_158 = arith.constant 192 : i32
    %sub3A_159 = arith.subi %sub3A_3, %sub3A_158 : i32
    %sub3A_160 = arith.constant 0 : i32
    %sub3A_161 = arith.subi %sub3A_159, %sub3A_160 : i32
    %iota3A_162 = tpu.iota {dimensions = array<i32: 0>} : vector<16xi32>
    %sub3A_163 = vector.broadcast %sub3A_161 : i32 to vector<16xi32>
    %sub3A_164 = arith.subi %sub3A_163, %iota3A_162 : vector<16xi32>
    %swap3A_165 = arith.constant 6 : i32
    %swap3A_166 = arith.index_cast %swap3A_165 : i32 to index
    %swap3A_167 = arith.constant 0 : index
    %swap3A_168 = tpu.vector_load %arg4[%swap3A_166, %swap3A_167] {strides = array<i32>} : memref<8x32xi32, #tpu.memory_space<vmem>>, vector<1x16xi32>,
    %swap3A_169 = vector.shape_cast %swap3A_168 : vector<1x16xi32> to vector<16xi32>
    %swap3A_170 = vector.shape_cast %sub3A_164 : vector<16xi32> to vector<1x16xi32>
    tpu.vector_store %arg4[%swap3A_166, %swap3A_167], %swap3A_170 {strides = array<i32>} : memref<8x32xi32, #tpu.memory_space<vmem>>, vector<1x16xi32>,
    %sub3A_171 = arith.constant 192 : i32
    %sub3A_172 = arith.subi %sub3A_3, %sub3A_171 : i32
    %sub3A_173 = arith.constant 16 : i32
    %sub3A_174 = arith.subi %sub3A_172, %sub3A_173 : i32
    %iota3A_175 = tpu.iota {dimensions = array<i32: 0>} : vector<16xi32>
    %sub3A_176 = vector.broadcast %sub3A_174 : i32 to vector<16xi32>
    %sub3A_177 = arith.subi %sub3A_176, %iota3A_175 : vector<16xi32>
    %swap3A_178 = arith.constant 6 : i32
    %swap3A_179 = arith.index_cast %swap3A_178 : i32 to index
    %swap3A_180 = arith.constant 16 : index
    %swap3A_181 = tpu.vector_load %arg4[%swap3A_179, %swap3A_180] {strides = array<i32>} : memref<8x32xi32, #tpu.memory_space<vmem>>, vector<1x16xi32>,
    %swap3A_182 = vector.shape_cast %swap3A_181 : vector<1x16xi32> to vector<16xi32>
    %swap3A_183 = vector.shape_cast %sub3A_177 : vector<16xi32> to vector<1x16xi32>
    tpu.vector_store %arg4[%swap3A_179, %swap3A_180], %swap3A_183 {strides = array<i32>} : memref<8x32xi32, #tpu.memory_space<vmem>>, vector<1x16xi32>,
    %sub3A_184 = arith.constant 224 : i32
    %sub3A_185 = arith.subi %sub3A_3, %sub3A_184 : i32
    %sub3A_186 = arith.constant 0 : i32
    %sub3A_187 = arith.subi %sub3A_185, %sub3A_186 : i32
    %iota3A_188 = tpu.iota {dimensions = array<i32: 0>} : vector<16xi32>
    %sub3A_189 = vector.broadcast %sub3A_187 : i32 to vector<16xi32>
    %sub3A_190 = arith.subi %sub3A_189, %iota3A_188 : vector<16xi32>
    %swap3A_191 = arith.constant 7 : i32
    %swap3A_192 = arith.index_cast %swap3A_191 : i32 to index
    %swap3A_193 = arith.constant 0 : index
    %swap3A_194 = tpu.vector_load %arg4[%swap3A_192, %swap3A_193] {strides = array<i32>} : memref<8x32xi32, #tpu.memory_space<vmem>>, vector<1x16xi32>,
    %swap3A_195 = vector.shape_cast %swap3A_194 : vector<1x16xi32> to vector<16xi32>
    %swap3A_196 = vector.shape_cast %sub3A_190 : vector<16xi32> to vector<1x16xi32>
    tpu.vector_store %arg4[%swap3A_192, %swap3A_193], %swap3A_196 {strides = array<i32>} : memref<8x32xi32, #tpu.memory_space<vmem>>, vector<1x16xi32>,
    %sub3A_197 = arith.constant 224 : i32
    %sub3A_198 = arith.subi %sub3A_3, %sub3A_197 : i32
    %sub3A_199 = arith.constant 16 : i32
    %sub3A_200 = arith.subi %sub3A_198, %sub3A_199 : i32
    %iota3A_201 = tpu.iota {dimensions = array<i32: 0>} : vector<16xi32>
    %sub3A_202 = vector.broadcast %sub3A_200 : i32 to vector<16xi32>
    %sub3A_203 = arith.subi %sub3A_202, %iota3A_201 : vector<16xi32>
    %swap3A_204 = arith.constant 7 : i32
    %swap3A_205 = arith.index_cast %swap3A_204 : i32 to index
    %swap3A_206 = arith.constant 16 : index
    %swap3A_207 = tpu.vector_load %arg4[%swap3A_205, %swap3A_206] {strides = array<i32>} : memref<8x32xi32, #tpu.memory_space<vmem>>, vector<1x16xi32>,
    %swap3A_208 = vector.shape_cast %swap3A_207 : vector<1x16xi32> to vector<16xi32>
    %swap3A_209 = vector.shape_cast %sub3A_203 : vector<16xi32> to vector<1x16xi32>
    tpu.vector_store %arg4[%swap3A_205, %swap3A_206], %swap3A_209 {strides = array<i32>} : memref<8x32xi32, #tpu.memory_space<vmem>>, vector<1x16xi32>,
    %dma_start3A = arith.constant 0 : i32
    %dma_start3A_210 = arith.constant 0 : i32
    %dma_start3A_211 = arith.constant 0 : i32
    %dma_start3A_212 = arith.constant 0 : i32
    %dma_start3A_213 = tpu.memref_slice %arg5[%dma_start3A_210, %dma_start3A_211, %dma_start3A_212] : memref<3x32x1024xf32, #tpu.memory_space<vmem>> -> memref<1x32x1024xf32, #tpu.memory_space<vmem>>
    %dma_start3A_214 = tpu.memref_squeeze %dma_start3A_213 : memref<1x32x1024xf32, #tpu.memory_space<vmem>> -> memref<32x1024xf32, #tpu.memory_space<vmem>>
    %dma_start3A_215 = arith.constant 0 : i32
    %dma_start3A_216 = tpu.memref_slice %arg4[%dma_start3A, %dma_start3A_215] : memref<8x32xi32, #tpu.memory_space<vmem>> -> memref<1x32xi32, #tpu.memory_space<vmem>>
    %dma_start3A_217 = tpu.memref_squeeze %dma_start3A_216 : memref<1x32xi32, #tpu.memory_space<vmem>> -> memref<32xi32, #tpu.memory_space<vmem>>
    %dma_start3A_218 = arith.constant 0 : i32
    %dma_start3A_219 = arith.constant 0 : i32
    %dma_start3A_220 = tpu.memref_slice %arg2[%dma_start3A_218, %dma_start3A_219] : memref<8192x1024xf32, #tpu.memory_space<hbm>> -> memref<8192x1024xf32, #tpu.memory_space<hbm>>
    tpu.enqueue_indirect_dma source(%dma_start3A_220 : memref<8192x1024xf32, #tpu.memory_space<hbm>>) target(%dma_start3A_214 : memref<32x1024xf32, #tpu.memory_space<vmem>>) offsets(%dma_start3A_217 : memref<32xi32, #tpu.memory_space<vmem>>) semaphore(%arg6 : memref<!tpu.dma_semaphore, #tpu.memory_space<semaphore_mem>>)
    %dma_start3A_221 = arith.constant 1 : i32
    %dma_start3A_222 = arith.constant 1 : i32
    %dma_start3A_223 = arith.constant 0 : i32
    %dma_start3A_224 = arith.constant 0 : i32
    %dma_start3A_225 = tpu.memref_slice %arg5[%dma_start3A_222, %dma_start3A_223, %dma_start3A_224] : memref<3x32x1024xf32, #tpu.memory_space<vmem>> -> memref<1x32x1024xf32, #tpu.memory_space<vmem>>
    %dma_start3A_226 = tpu.memref_squeeze %dma_start3A_225 : memref<1x32x1024xf32, #tpu.memory_space<vmem>> -> memref<32x1024xf32, #tpu.memory_space<vmem>>
    %dma_start3A_227 = arith.constant 0 : i32
    %dma_start3A_228 = tpu.memref_slice %arg4[%dma_start3A_221, %dma_start3A_227] : memref<8x32xi32, #tpu.memory_space<vmem>> -> memref<1x32xi32, #tpu.memory_space<vmem>>
    %dma_start3A_229 = tpu.memref_squeeze %dma_start3A_228 : memref<1x32xi32, #tpu.memory_space<vmem>> -> memref<32xi32, #tpu.memory_space<vmem>>
    %dma_start3A_230 = arith.constant 0 : i32
    %dma_start3A_231 = arith.constant 0 : i32
    %dma_start3A_232 = tpu.memref_slice %arg2[%dma_start3A_230, %dma_start3A_231] : memref<8192x1024xf32, #tpu.memory_space<hbm>> -> memref<8192x1024xf32, #tpu.memory_space<hbm>>
    tpu.enqueue_indirect_dma source(%dma_start3A_232 : memref<8192x1024xf32, #tpu.memory_space<hbm>>) target(%dma_start3A_226 : memref<32x1024xf32, #tpu.memory_space<vmem>>) offsets(%dma_start3A_229 : memref<32xi32, #tpu.memory_space<vmem>>) semaphore(%arg7 : memref<!tpu.dma_semaphore, #tpu.memory_space<semaphore_mem>>)
    %dma_wait3A = arith.constant 0 : i32
    %dma_wait3A_233 = arith.constant 0 : i32
    %dma_wait3A_234 = arith.constant 0 : i32
    %dma_wait3A_235 = arith.constant 0 : i32
    %dma_wait3A_236 = tpu.memref_slice %arg5[%dma_wait3A_233, %dma_wait3A_234, %dma_wait3A_235] : memref<3x32x1024xf32, #tpu.memory_space<vmem>> -> memref<1x32x1024xf32, #tpu.memory_space<vmem>>
    %dma_wait3A_237 = tpu.memref_squeeze %dma_wait3A_236 : memref<1x32x1024xf32, #tpu.memory_space<vmem>> -> memref<32x1024xf32, #tpu.memory_space<vmem>>
    %dma_wait3A_238 = arith.constant 0 : i32
    %dma_wait3A_239 = tpu.memref_slice %arg4[%dma_wait3A, %dma_wait3A_238] : memref<8x32xi32, #tpu.memory_space<vmem>> -> memref<1x32xi32, #tpu.memory_space<vmem>>
    %dma_wait3A_240 = tpu.memref_squeeze %dma_wait3A_239 : memref<1x32xi32, #tpu.memory_space<vmem>> -> memref<32xi32, #tpu.memory_space<vmem>>
    %dma_wait3A_241 = arith.constant 0 : i32
    %dma_wait3A_242 = arith.constant 0 : i32
    %dma_wait3A_243 = tpu.memref_slice %arg2[%dma_wait3A_241, %dma_wait3A_242] : memref<8192x1024xf32, #tpu.memory_space<hbm>> -> memref<8192x1024xf32, #tpu.memory_space<hbm>>
    tpu.wait_indirect_dma semaphore(%arg6 : memref<!tpu.dma_semaphore, #tpu.memory_space<semaphore_mem>>) src(%dma_wait3A_243 : memref<8192x1024xf32, #tpu.memory_space<hbm>>) dst(%dma_wait3A_237 : memref<32x1024xf32, #tpu.memory_space<vmem>>)
    %add3A_244 = arith.constant 0 : i32
    %add3A_245 = arith.addi %mul3A_2, %add3A_244 : i32
    %dma_start3A_246 = arith.constant 0 : i32
    %dma_start3A_247 = arith.constant 0 : i32
    %dma_start3A_248 = arith.constant 0 : i32
    %dma_start3A_249 = tpu.memref_slice %arg5[%dma_start3A_246, %dma_start3A_247, %dma_start3A_248] : memref<3x32x1024xf32, #tpu.memory_space<vmem>> -> memref<1x32x1024xf32, #tpu.memory_space<vmem>>
    %dma_start3A_250 = tpu.memref_squeeze %dma_start3A_249 : memref<1x32x1024xf32, #tpu.memory_space<vmem>> -> memref<32x1024xf32, #tpu.memory_space<vmem>>
    %dma_start3A_251 = arith.constant 0 : i32
    %dma_start3A_252 = tpu.memref_slice %arg3[%add3A_245, %dma_start3A_251] : memref<8192x1024xf32, #tpu.memory_space<hbm>> -> memref<32x1024xf32, #tpu.memory_space<hbm>>
    %dma_start3A_253 = arith.constant 0 : i32
    %dma_start3A_254 = tpu.memref_slice %arg3[%add3A_245, %dma_start3A_253] : memref<8192x1024xf32, #tpu.memory_space<hbm>> -> memref<32x1024xf32, #tpu.memory_space<hbm>>
    %dma_start3A_255 = arith.constant 0 : i32
    %dma_start3A_256 = arith.constant 0 : i32
    %dma_start3A_257 = tpu.memref_slice %arg5[%dma_start3A_246, %dma_start3A_255, %dma_start3A_256] : memref<3x32x1024xf32, #tpu.memory_space<vmem>> -> memref<1x32x1024xf32, #tpu.memory_space<vmem>>
    %dma_start3A_258 = tpu.memref_squeeze %dma_start3A_257 : memref<1x32x1024xf32, #tpu.memory_space<vmem>> -> memref<32x1024xf32, #tpu.memory_space<vmem>>
    tpu.enqueue_dma source(%dma_start3A_258 : memref<32x1024xf32, #tpu.memory_space<vmem>>) target(%dma_start3A_254 : memref<32x1024xf32, #tpu.memory_space<hbm>>) target_semaphore(%arg9 : memref<!tpu.dma_semaphore, #tpu.memory_space<semaphore_mem>>)
    %dma_start3A_259 = arith.constant 2 : i32
    %dma_start3A_260 = arith.constant 2 : i32
    %dma_start3A_261 = arith.constant 0 : i32
    %dma_start3A_262 = arith.constant 0 : i32
    %dma_start3A_263 = tpu.memref_slice %arg5[%dma_start3A_260, %dma_start3A_261, %dma_start3A_262] : memref<3x32x1024xf32, #tpu.memory_space<vmem>> -> memref<1x32x1024xf32, #tpu.memory_space<vmem>>
    %dma_start3A_264 = tpu.memref_squeeze %dma_start3A_263 : memref<1x32x1024xf32, #tpu.memory_space<vmem>> -> memref<32x1024xf32, #tpu.memory_space<vmem>>
    %dma_start3A_265 = arith.constant 0 : i32
    %dma_start3A_266 = tpu.memref_slice %arg4[%dma_start3A_259, %dma_start3A_265] : memref<8x32xi32, #tpu.memory_space<vmem>> -> memref<1x32xi32, #tpu.memory_space<vmem>>
    %dma_start3A_267 = tpu.memref_squeeze %dma_start3A_266 : memref<1x32xi32, #tpu.memory_space<vmem>> -> memref<32xi32, #tpu.memory_space<vmem>>
    %dma_start3A_268 = arith.constant 0 : i32
    %dma_start3A_269 = arith.constant 0 : i32
    %dma_start3A_270 = tpu.memref_slice %arg2[%dma_start3A_268, %dma_start3A_269] : memref<8192x1024xf32, #tpu.memory_space<hbm>> -> memref<8192x1024xf32, #tpu.memory_space<hbm>>
    tpu.enqueue_indirect_dma source(%dma_start3A_270 : memref<8192x1024xf32, #tpu.memory_space<hbm>>) target(%dma_start3A_264 : memref<32x1024xf32, #tpu.memory_space<vmem>>) offsets(%dma_start3A_267 : memref<32xi32, #tpu.memory_space<vmem>>) semaphore(%arg8 : memref<!tpu.dma_semaphore, #tpu.memory_space<semaphore_mem>>)
    %dma_wait3A_271 = arith.constant 1 : i32
    %dma_wait3A_272 = arith.constant 1 : i32
    %dma_wait3A_273 = arith.constant 0 : i32
    %dma_wait3A_274 = arith.constant 0 : i32
    %dma_wait3A_275 = tpu.memref_slice %arg5[%dma_wait3A_272, %dma_wait3A_273, %dma_wait3A_274] : memref<3x32x1024xf32, #tpu.memory_space<vmem>> -> memref<1x32x1024xf32, #tpu.memory_space<vmem>>
    %dma_wait3A_276 = tpu.memref_squeeze %dma_wait3A_275 : memref<1x32x1024xf32, #tpu.memory_space<vmem>> -> memref<32x1024xf32, #tpu.memory_space<vmem>>
    %dma_wait3A_277 = arith.constant 0 : i32
    %dma_wait3A_278 = tpu.memref_slice %arg4[%dma_wait3A_271, %dma_wait3A_277] : memref<8x32xi32, #tpu.memory_space<vmem>> -> memref<1x32xi32, #tpu.memory_space<vmem>>
    %dma_wait3A_279 = tpu.memref_squeeze %dma_wait3A_278 : memref<1x32xi32, #tpu.memory_space<vmem>> -> memref<32xi32, #tpu.memory_space<vmem>>
    %dma_wait3A_280 = arith.constant 0 : i32
    %dma_wait3A_281 = arith.constant 0 : i32
    %dma_wait3A_282 = tpu.memref_slice %arg2[%dma_wait3A_280, %dma_wait3A_281] : memref<8192x1024xf32, #tpu.memory_space<hbm>> -> memref<8192x1024xf32, #tpu.memory_space<hbm>>
    tpu.wait_indirect_dma semaphore(%arg7 : memref<!tpu.dma_semaphore, #tpu.memory_space<semaphore_mem>>) src(%dma_wait3A_282 : memref<8192x1024xf32, #tpu.memory_space<hbm>>) dst(%dma_wait3A_276 : memref<32x1024xf32, #tpu.memory_space<vmem>>)
    %add3A_283 = arith.constant 32 : i32
    %add3A_284 = arith.addi %mul3A_2, %add3A_283 : i32
    %dma_start3A_285 = arith.constant 1 : i32
    %dma_start3A_286 = arith.constant 0 : i32
    %dma_start3A_287 = arith.constant 0 : i32
    %dma_start3A_288 = tpu.memref_slice %arg5[%dma_start3A_285, %dma_start3A_286, %dma_start3A_287] : memref<3x32x1024xf32, #tpu.memory_space<vmem>> -> memref<1x32x1024xf32, #tpu.memory_space<vmem>>
    %dma_start3A_289 = tpu.memref_squeeze %dma_start3A_288 : memref<1x32x1024xf32, #tpu.memory_space<vmem>> -> memref<32x1024xf32, #tpu.memory_space<vmem>>
    %dma_start3A_290 = arith.constant 0 : i32
    %dma_start3A_291 = tpu.memref_slice %arg3[%add3A_284, %dma_start3A_290] : memref<8192x1024xf32, #tpu.memory_space<hbm>> -> memref<32x1024xf32, #tpu.memory_space<hbm>>
    %dma_start3A_292 = arith.constant 0 : i32
    %dma_start3A_293 = tpu.memref_slice %arg3[%add3A_284, %dma_start3A_292] : memref<8192x1024xf32, #tpu.memory_space<hbm>> -> memref<32x1024xf32, #tpu.memory_space<hbm>>
    %dma_start3A_294 = arith.constant 0 : i32
    %dma_start3A_295 = arith.constant 0 : i32
    %dma_start3A_296 = tpu.memref_slice %arg5[%dma_start3A_285, %dma_start3A_294, %dma_start3A_295] : memref<3x32x1024xf32, #tpu.memory_space<vmem>> -> memref<1x32x1024xf32, #tpu.memory_space<vmem>>
    %dma_start3A_297 = tpu.memref_squeeze %dma_start3A_296 : memref<1x32x1024xf32, #tpu.memory_space<vmem>> -> memref<32x1024xf32, #tpu.memory_space<vmem>>
    tpu.enqueue_dma source(%dma_start3A_297 : memref<32x1024xf32, #tpu.memory_space<vmem>>) target(%dma_start3A_293 : memref<32x1024xf32, #tpu.memory_space<hbm>>) target_semaphore(%arg10 : memref<!tpu.dma_semaphore, #tpu.memory_space<semaphore_mem>>)
    %dma_wait3A_298 = arith.constant 0 : i32
    %dma_wait3A_299 = arith.constant 0 : i32
    %dma_wait3A_300 = arith.constant 0 : i32
    %dma_wait3A_301 = tpu.memref_slice %arg5[%dma_wait3A_298, %dma_wait3A_299, %dma_wait3A_300] : memref<3x32x1024xf32, #tpu.memory_space<vmem>> -> memref<1x32x1024xf32, #tpu.memory_space<vmem>>
    %dma_wait3A_302 = tpu.memref_squeeze %dma_wait3A_301 : memref<1x32x1024xf32, #tpu.memory_space<vmem>> -> memref<32x1024xf32, #tpu.memory_space<vmem>>
    %dma_wait3A_303 = arith.constant 0 : i32
    %dma_wait3A_304 = tpu.memref_slice %arg3[%add3A_245, %dma_wait3A_303] : memref<8192x1024xf32, #tpu.memory_space<hbm>> -> memref<32x1024xf32, #tpu.memory_space<hbm>>
    %dma_wait3A_305 = arith.constant 0 : i32
    %dma_wait3A_306 = tpu.memref_slice %arg3[%add3A_245, %dma_wait3A_305] : memref<8192x1024xf32, #tpu.memory_space<hbm>> -> memref<32x1024xf32, #tpu.memory_space<hbm>>
    %dma_wait3A_307 = arith.constant 0 : i32
    %dma_wait3A_308 = arith.constant 0 : i32
    %dma_wait3A_309 = tpu.memref_slice %arg5[%dma_wait3A_298, %dma_wait3A_307, %dma_wait3A_308] : memref<3x32x1024xf32, #tpu.memory_space<vmem>> -> memref<1x32x1024xf32, #tpu.memory_space<vmem>>
    %dma_wait3A_310 = tpu.memref_squeeze %dma_wait3A_309 : memref<1x32x1024xf32, #tpu.memory_space<vmem>> -> memref<32x1024xf32, #tpu.memory_space<vmem>>
    tpu.wait_dma2 semaphore(%arg9 : memref<!tpu.dma_semaphore, #tpu.memory_space<semaphore_mem>>) src(%dma_wait3A_310 : memref<32x1024xf32, #tpu.memory_space<vmem>>) dst(%dma_wait3A_306 : memref<32x1024xf32, #tpu.memory_space<hbm>>)
    %dma_start3A_311 = arith.constant 3 : i32
    %dma_start3A_312 = arith.constant 0 : i32
    %dma_start3A_313 = arith.constant 0 : i32
    %dma_start3A_314 = arith.constant 0 : i32
    %dma_start3A_315 = tpu.memref_slice %arg5[%dma_start3A_312, %dma_start3A_313, %dma_start3A_314] : memref<3x32x1024xf32, #tpu.memory_space<vmem>> -> memref<1x32x1024xf32, #tpu.memory_space<vmem>>
    %dma_start3A_316 = tpu.memref_squeeze %dma_start3A_315 : memref<1x32x1024xf32, #tpu.memory_space<vmem>> -> memref<32x1024xf32, #tpu.memory_space<vmem>>
    %dma_start3A_317 = arith.constant 0 : i32
    %dma_start3A_318 = tpu.memref_slice %arg4[%dma_start3A_311, %dma_start3A_317] : memref<8x32xi32, #tpu.memory_space<vmem>> -> memref<1x32xi32, #tpu.memory_space<vmem>>
    %dma_start3A_319 = tpu.memref_squeeze %dma_start3A_318 : memref<1x32xi32, #tpu.memory_space<vmem>> -> memref<32xi32, #tpu.memory_space<vmem>>
    %dma_start3A_320 = arith.constant 0 : i32
    %dma_start3A_321 = arith.constant 0 : i32
    %dma_start3A_322 = tpu.memref_slice %arg2[%dma_start3A_320, %dma_start3A_321] : memref<8192x1024xf32, #tpu.memory_space<hbm>> -> memref<8192x1024xf32, #tpu.memory_space<hbm>>
    tpu.enqueue_indirect_dma source(%dma_start3A_322 : memref<8192x1024xf32, #tpu.memory_space<hbm>>) target(%dma_start3A_316 : memref<32x1024xf32, #tpu.memory_space<vmem>>) offsets(%dma_start3A_319 : memref<32xi32, #tpu.memory_space<vmem>>) semaphore(%arg6 : memref<!tpu.dma_semaphore, #tpu.memory_space<semaphore_mem>>)
    %dma_wait3A_323 = arith.constant 2 : i32
    %dma_wait3A_324 = arith.constant 2 : i32
    %dma_wait3A_325 = arith.constant 0 : i32
    %dma_wait3A_326 = arith.constant 0 : i32
    %dma_wait3A_327 = tpu.memref_slice %arg5[%dma_wait3A_324, %dma_wait3A_325, %dma_wait3A_326] : memref<3x32x1024xf32, #tpu.memory_space<vmem>> -> memref<1x32x1024xf32, #tpu.memory_space<vmem>>
    %dma_wait3A_328 = tpu.memref_squeeze %dma_wait3A_327 : memref<1x32x1024xf32, #tpu.memory_space<vmem>> -> memref<32x1024xf32, #tpu.memory_space<vmem>>
    %dma_wait3A_329 = arith.constant 0 : i32
    %dma_wait3A_330 = tpu.memref_slice %arg4[%dma_wait3A_323, %dma_wait3A_329] : memref<8x32xi32, #tpu.memory_space<vmem>> -> memref<1x32xi32, #tpu.memory_space<vmem>>
    %dma_wait3A_331 = tpu.memref_squeeze %dma_wait3A_330 : memref<1x32xi32, #tpu.memory_space<vmem>> -> memref<32xi32, #tpu.memory_space<vmem>>
    %dma_wait3A_332 = arith.constant 0 : i32
    %dma_wait3A_333 = arith.constant 0 : i32
    %dma_wait3A_334 = tpu.memref_slice %arg2[%dma_wait3A_332, %dma_wait3A_333] : memref<8192x1024xf32, #tpu.memory_space<hbm>> -> memref<8192x1024xf32, #tpu.memory_space<hbm>>
    tpu.wait_indirect_dma semaphore(%arg8 : memref<!tpu.dma_semaphore, #tpu.memory_space<semaphore_mem>>) src(%dma_wait3A_334 : memref<8192x1024xf32, #tpu.memory_space<hbm>>) dst(%dma_wait3A_328 : memref<32x1024xf32, #tpu.memory_space<vmem>>)
    %add3A_335 = arith.constant 64 : i32
    %add3A_336 = arith.addi %mul3A_2, %add3A_335 : i32
    %dma_start3A_337 = arith.constant 2 : i32
    %dma_start3A_338 = arith.constant 0 : i32
    %dma_start3A_339 = arith.constant 0 : i32
    %dma_start3A_340 = tpu.memref_slice %arg5[%dma_start3A_337, %dma_start3A_338, %dma_start3A_339] : memref<3x32x1024xf32, #tpu.memory_space<vmem>> -> memref<1x32x1024xf32, #tpu.memory_space<vmem>>
    %dma_start3A_341 = tpu.memref_squeeze %dma_start3A_340 : memref<1x32x1024xf32, #tpu.memory_space<vmem>> -> memref<32x1024xf32, #tpu.memory_space<vmem>>
    %dma_start3A_342 = arith.constant 0 : i32
    %dma_start3A_343 = tpu.memref_slice %arg3[%add3A_336, %dma_start3A_342] : memref<8192x1024xf32, #tpu.memory_space<hbm>> -> memref<32x1024xf32, #tpu.memory_space<hbm>>
    %dma_start3A_344 = arith.constant 0 : i32
    %dma_start3A_345 = tpu.memref_slice %arg3[%add3A_336, %dma_start3A_344] : memref<8192x1024xf32, #tpu.memory_space<hbm>> -> memref<32x1024xf32, #tpu.memory_space<hbm>>
    %dma_start3A_346 = arith.constant 0 : i32
    %dma_start3A_347 = arith.constant 0 : i32
    %dma_start3A_348 = tpu.memref_slice %arg5[%dma_start3A_337, %dma_start3A_346, %dma_start3A_347] : memref<3x32x1024xf32, #tpu.memory_space<vmem>> -> memref<1x32x1024xf32, #tpu.memory_space<vmem>>
    %dma_start3A_349 = tpu.memref_squeeze %dma_start3A_348 : memref<1x32x1024xf32, #tpu.memory_space<vmem>> -> memref<32x1024xf32, #tpu.memory_space<vmem>>
    tpu.enqueue_dma source(%dma_start3A_349 : memref<32x1024xf32, #tpu.memory_space<vmem>>) target(%dma_start3A_345 : memref<32x1024xf32, #tpu.memory_space<hbm>>) target_semaphore(%arg11 : memref<!tpu.dma_semaphore, #tpu.memory_space<semaphore_mem>>)
    %dma_wait3A_350 = arith.constant 1 : i32
    %dma_wait3A_351 = arith.constant 0 : i32
    %dma_wait3A_352 = arith.constant 0 : i32
    %dma_wait3A_353 = tpu.memref_slice %arg5[%dma_wait3A_350, %dma_wait3A_351, %dma_wait3A_352] : memref<3x32x1024xf32, #tpu.memory_space<vmem>> -> memref<1x32x1024xf32, #tpu.memory_space<vmem>>
    %dma_wait3A_354 = tpu.memref_squeeze %dma_wait3A_353 : memref<1x32x1024xf32, #tpu.memory_space<vmem>> -> memref<32x1024xf32, #tpu.memory_space<vmem>>
    %dma_wait3A_355 = arith.constant 0 : i32
    %dma_wait3A_356 = tpu.memref_slice %arg3[%add3A_284, %dma_wait3A_355] : memref<8192x1024xf32, #tpu.memory_space<hbm>> -> memref<32x1024xf32, #tpu.memory_space<hbm>>
    %dma_wait3A_357 = arith.constant 0 : i32
    %dma_wait3A_358 = tpu.memref_slice %arg3[%add3A_284, %dma_wait3A_357] : memref<8192x1024xf32, #tpu.memory_space<hbm>> -> memref<32x1024xf32, #tpu.memory_space<hbm>>
    %dma_wait3A_359 = arith.constant 0 : i32
    %dma_wait3A_360 = arith.constant 0 : i32
    %dma_wait3A_361 = tpu.memref_slice %arg5[%dma_wait3A_350, %dma_wait3A_359, %dma_wait3A_360] : memref<3x32x1024xf32, #tpu.memory_space<vmem>> -> memref<1x32x1024xf32, #tpu.memory_space<vmem>>
    %dma_wait3A_362 = tpu.memref_squeeze %dma_wait3A_361 : memref<1x32x1024xf32, #tpu.memory_space<vmem>> -> memref<32x1024xf32, #tpu.memory_space<vmem>>
    tpu.wait_dma2 semaphore(%arg10 : memref<!tpu.dma_semaphore, #tpu.memory_space<semaphore_mem>>) src(%dma_wait3A_362 : memref<32x1024xf32, #tpu.memory_space<vmem>>) dst(%dma_wait3A_358 : memref<32x1024xf32, #tpu.memory_space<hbm>>)
    %dma_start3A_363 = arith.constant 4 : i32
    %dma_start3A_364 = arith.constant 1 : i32
    %dma_start3A_365 = arith.constant 0 : i32
    %dma_start3A_366 = arith.constant 0 : i32
    %dma_start3A_367 = tpu.memref_slice %arg5[%dma_start3A_364, %dma_start3A_365, %dma_start3A_366] : memref<3x32x1024xf32, #tpu.memory_space<vmem>> -> memref<1x32x1024xf32, #tpu.memory_space<vmem>>
    %dma_start3A_368 = tpu.memref_squeeze %dma_start3A_367 : memref<1x32x1024xf32, #tpu.memory_space<vmem>> -> memref<32x1024xf32, #tpu.memory_space<vmem>>
    %dma_start3A_369 = arith.constant 0 : i32
    %dma_start3A_370 = tpu.memref_slice %arg4[%dma_start3A_363, %dma_start3A_369] : memref<8x32xi32, #tpu.memory_space<vmem>> -> memref<1x32xi32, #tpu.memory_space<vmem>>
    %dma_start3A_371 = tpu.memref_squeeze %dma_start3A_370 : memref<1x32xi32, #tpu.memory_space<vmem>> -> memref<32xi32, #tpu.memory_space<vmem>>
    %dma_start3A_372 = arith.constant 0 : i32
    %dma_start3A_373 = arith.constant 0 : i32
    %dma_start3A_374 = tpu.memref_slice %arg2[%dma_start3A_372, %dma_start3A_373] : memref<8192x1024xf32, #tpu.memory_space<hbm>> -> memref<8192x1024xf32, #tpu.memory_space<hbm>>
    tpu.enqueue_indirect_dma source(%dma_start3A_374 : memref<8192x1024xf32, #tpu.memory_space<hbm>>) target(%dma_start3A_368 : memref<32x1024xf32, #tpu.memory_space<vmem>>) offsets(%dma_start3A_371 : memref<32xi32, #tpu.memory_space<vmem>>) semaphore(%arg7 : memref<!tpu.dma_semaphore, #tpu.memory_space<semaphore_mem>>)
    %dma_wait3A_375 = arith.constant 3 : i32
    %dma_wait3A_376 = arith.constant 0 : i32
    %dma_wait3A_377 = arith.constant 0 : i32
    %dma_wait3A_378 = arith.constant 0 : i32
    %dma_wait3A_379 = tpu.memref_slice %arg5[%dma_wait3A_376, %dma_wait3A_377, %dma_wait3A_378] : memref<3x32x1024xf32, #tpu.memory_space<vmem>> -> memref<1x32x1024xf32, #tpu.memory_space<vmem>>
    %dma_wait3A_380 = tpu.memref_squeeze %dma_wait3A_379 : memref<1x32x1024xf32, #tpu.memory_space<vmem>> -> memref<32x1024xf32, #tpu.memory_space<vmem>>
    %dma_wait3A_381 = arith.constant 0 : i32
    %dma_wait3A_382 = tpu.memref_slice %arg4[%dma_wait3A_375, %dma_wait3A_381] : memref<8x32xi32, #tpu.memory_space<vmem>> -> memref<1x32xi32, #tpu.memory_space<vmem>>
    %dma_wait3A_383 = tpu.memref_squeeze %dma_wait3A_382 : memref<1x32xi32, #tpu.memory_space<vmem>> -> memref<32xi32, #tpu.memory_space<vmem>>
    %dma_wait3A_384 = arith.constant 0 : i32
    %dma_wait3A_385 = arith.constant 0 : i32
    %dma_wait3A_386 = tpu.memref_slice %arg2[%dma_wait3A_384, %dma_wait3A_385] : memref<8192x1024xf32, #tpu.memory_space<hbm>> -> memref<8192x1024xf32, #tpu.memory_space<hbm>>
    tpu.wait_indirect_dma semaphore(%arg6 : memref<!tpu.dma_semaphore, #tpu.memory_space<semaphore_mem>>) src(%dma_wait3A_386 : memref<8192x1024xf32, #tpu.memory_space<hbm>>) dst(%dma_wait3A_380 : memref<32x1024xf32, #tpu.memory_space<vmem>>)
    %add3A_387 = arith.constant 96 : i32
    %add3A_388 = arith.addi %mul3A_2, %add3A_387 : i32
    %dma_start3A_389 = arith.constant 0 : i32
    %dma_start3A_390 = arith.constant 0 : i32
    %dma_start3A_391 = arith.constant 0 : i32
    %dma_start3A_392 = tpu.memref_slice %arg5[%dma_start3A_389, %dma_start3A_390, %dma_start3A_391] : memref<3x32x1024xf32, #tpu.memory_space<vmem>> -> memref<1x32x1024xf32, #tpu.memory_space<vmem>>
    %dma_start3A_393 = tpu.memref_squeeze %dma_start3A_392 : memref<1x32x1024xf32, #tpu.memory_space<vmem>> -> memref<32x1024xf32, #tpu.memory_space<vmem>>
    %dma_start3A_394 = arith.constant 0 : i32
    %dma_start3A_395 = tpu.memref_slice %arg3[%add3A_388, %dma_start3A_394] : memref<8192x1024xf32, #tpu.memory_space<hbm>> -> memref<32x1024xf32, #tpu.memory_space<hbm>>
    %dma_start3A_396 = arith.constant 0 : i32
    %dma_start3A_397 = tpu.memref_slice %arg3[%add3A_388, %dma_start3A_396] : memref<8192x1024xf32, #tpu.memory_space<hbm>> -> memref<32x1024xf32, #tpu.memory_space<hbm>>
    %dma_start3A_398 = arith.constant 0 : i32
    %dma_start3A_399 = arith.constant 0 : i32
    %dma_start3A_400 = tpu.memref_slice %arg5[%dma_start3A_389, %dma_start3A_398, %dma_start3A_399] : memref<3x32x1024xf32, #tpu.memory_space<vmem>> -> memref<1x32x1024xf32, #tpu.memory_space<vmem>>
    %dma_start3A_401 = tpu.memref_squeeze %dma_start3A_400 : memref<1x32x1024xf32, #tpu.memory_space<vmem>> -> memref<32x1024xf32, #tpu.memory_space<vmem>>
    tpu.enqueue_dma source(%dma_start3A_401 : memref<32x1024xf32, #tpu.memory_space<vmem>>) target(%dma_start3A_397 : memref<32x1024xf32, #tpu.memory_space<hbm>>) target_semaphore(%arg9 : memref<!tpu.dma_semaphore, #tpu.memory_space<semaphore_mem>>)
    %dma_wait3A_402 = arith.constant 2 : i32
    %dma_wait3A_403 = arith.constant 0 : i32
    %dma_wait3A_404 = arith.constant 0 : i32
    %dma_wait3A_405 = tpu.memref_slice %arg5[%dma_wait3A_402, %dma_wait3A_403, %dma_wait3A_404] : memref<3x32x1024xf32, #tpu.memory_space<vmem>> -> memref<1x32x1024xf32, #tpu.memory_space<vmem>>
    %dma_wait3A_406 = tpu.memref_squeeze %dma_wait3A_405 : memref<1x32x1024xf32, #tpu.memory_space<vmem>> -> memref<32x1024xf32, #tpu.memory_space<vmem>>
    %dma_wait3A_407 = arith.constant 0 : i32
    %dma_wait3A_408 = tpu.memref_slice %arg3[%add3A_336, %dma_wait3A_407] : memref<8192x1024xf32, #tpu.memory_space<hbm>> -> memref<32x1024xf32, #tpu.memory_space<hbm>>
    %dma_wait3A_409 = arith.constant 0 : i32
    %dma_wait3A_410 = tpu.memref_slice %arg3[%add3A_336, %dma_wait3A_409] : memref<8192x1024xf32, #tpu.memory_space<hbm>> -> memref<32x1024xf32, #tpu.memory_space<hbm>>
    %dma_wait3A_411 = arith.constant 0 : i32
    %dma_wait3A_412 = arith.constant 0 : i32
    %dma_wait3A_413 = tpu.memref_slice %arg5[%dma_wait3A_402, %dma_wait3A_411, %dma_wait3A_412] : memref<3x32x1024xf32, #tpu.memory_space<vmem>> -> memref<1x32x1024xf32, #tpu.memory_space<vmem>>
    %dma_wait3A_414 = tpu.memref_squeeze %dma_wait3A_413 : memref<1x32x1024xf32, #tpu.memory_space<vmem>> -> memref<32x1024xf32, #tpu.memory_space<vmem>>
    tpu.wait_dma2 semaphore(%arg11 : memref<!tpu.dma_semaphore, #tpu.memory_space<semaphore_mem>>) src(%dma_wait3A_414 : memref<32x1024xf32, #tpu.memory_space<vmem>>) dst(%dma_wait3A_410 : memref<32x1024xf32, #tpu.memory_space<hbm>>)
    %dma_start3A_415 = arith.constant 5 : i32
    %dma_start3A_416 = arith.constant 2 : i32
    %dma_start3A_417 = arith.constant 0 : i32
    %dma_start3A_418 = arith.constant 0 : i32
    %dma_start3A_419 = tpu.memref_slice %arg5[%dma_start3A_416, %dma_start3A_417, %dma_start3A_418] : memref<3x32x1024xf32, #tpu.memory_space<vmem>> -> memref<1x32x1024xf32, #tpu.memory_space<vmem>>
    %dma_start3A_420 = tpu.memref_squeeze %dma_start3A_419 : memref<1x32x1024xf32, #tpu.memory_space<vmem>> -> memref<32x1024xf32, #tpu.memory_space<vmem>>
    %dma_start3A_421 = arith.constant 0 : i32
    %dma_start3A_422 = tpu.memref_slice %arg4[%dma_start3A_415, %dma_start3A_421] : memref<8x32xi32, #tpu.memory_space<vmem>> -> memref<1x32xi32, #tpu.memory_space<vmem>>
    %dma_start3A_423 = tpu.memref_squeeze %dma_start3A_422 : memref<1x32xi32, #tpu.memory_space<vmem>> -> memref<32xi32, #tpu.memory_space<vmem>>
    %dma_start3A_424 = arith.constant 0 : i32
    %dma_start3A_425 = arith.constant 0 : i32
    %dma_start3A_426 = tpu.memref_slice %arg2[%dma_start3A_424, %dma_start3A_425] : memref<8192x1024xf32, #tpu.memory_space<hbm>> -> memref<8192x1024xf32, #tpu.memory_space<hbm>>
    tpu.enqueue_indirect_dma source(%dma_start3A_426 : memref<8192x1024xf32, #tpu.memory_space<hbm>>) target(%dma_start3A_420 : memref<32x1024xf32, #tpu.memory_space<vmem>>) offsets(%dma_start3A_423 : memref<32xi32, #tpu.memory_space<vmem>>) semaphore(%arg8 : memref<!tpu.dma_semaphore, #tpu.memory_space<semaphore_mem>>)
    %dma_wait3A_427 = arith.constant 4 : i32
    %dma_wait3A_428 = arith.constant 1 : i32
    %dma_wait3A_429 = arith.constant 0 : i32
    %dma_wait3A_430 = arith.constant 0 : i32
    %dma_wait3A_431 = tpu.memref_slice %arg5[%dma_wait3A_428, %dma_wait3A_429, %dma_wait3A_430] : memref<3x32x1024xf32, #tpu.memory_space<vmem>> -> memref<1x32x1024xf32, #tpu.memory_space<vmem>>
    %dma_wait3A_432 = tpu.memref_squeeze %dma_wait3A_431 : memref<1x32x1024xf32, #tpu.memory_space<vmem>> -> memref<32x1024xf32, #tpu.memory_space<vmem>>
    %dma_wait3A_433 = arith.constant 0 : i32
    %dma_wait3A_434 = tpu.memref_slice %arg4[%dma_wait3A_427, %dma_wait3A_433] : memref<8x32xi32, #tpu.memory_space<vmem>> -> memref<1x32xi32, #tpu.memory_space<vmem>>
    %dma_wait3A_435 = tpu.memref_squeeze %dma_wait3A_434 : memref<1x32xi32, #tpu.memory_space<vmem>> -> memref<32xi32, #tpu.memory_space<vmem>>
    %dma_wait3A_436 = arith.constant 0 : i32
    %dma_wait3A_437 = arith.constant 0 : i32
    %dma_wait3A_438 = tpu.memref_slice %arg2[%dma_wait3A_436, %dma_wait3A_437] : memref<8192x1024xf32, #tpu.memory_space<hbm>> -> memref<8192x1024xf32, #tpu.memory_space<hbm>>
    tpu.wait_indirect_dma semaphore(%arg7 : memref<!tpu.dma_semaphore, #tpu.memory_space<semaphore_mem>>) src(%dma_wait3A_438 : memref<8192x1024xf32, #tpu.memory_space<hbm>>) dst(%dma_wait3A_432 : memref<32x1024xf32, #tpu.memory_space<vmem>>)
    %add3A_439 = arith.constant 128 : i32
    %add3A_440 = arith.addi %mul3A_2, %add3A_439 : i32
    %dma_start3A_441 = arith.constant 1 : i32
    %dma_start3A_442 = arith.constant 0 : i32
    %dma_start3A_443 = arith.constant 0 : i32
    %dma_start3A_444 = tpu.memref_slice %arg5[%dma_start3A_441, %dma_start3A_442, %dma_start3A_443] : memref<3x32x1024xf32, #tpu.memory_space<vmem>> -> memref<1x32x1024xf32, #tpu.memory_space<vmem>>
    %dma_start3A_445 = tpu.memref_squeeze %dma_start3A_444 : memref<1x32x1024xf32, #tpu.memory_space<vmem>> -> memref<32x1024xf32, #tpu.memory_space<vmem>>
    %dma_start3A_446 = arith.constant 0 : i32
    %dma_start3A_447 = tpu.memref_slice %arg3[%add3A_440, %dma_start3A_446] : memref<8192x1024xf32, #tpu.memory_space<hbm>> -> memref<32x1024xf32, #tpu.memory_space<hbm>>
    %dma_start3A_448 = arith.constant 0 : i32
    %dma_start3A_449 = tpu.memref_slice %arg3[%add3A_440, %dma_start3A_448] : memref<8192x1024xf32, #tpu.memory_space<hbm>> -> memref<32x1024xf32, #tpu.memory_space<hbm>>
    %dma_start3A_450 = arith.constant 0 : i32
    %dma_start3A_451 = arith.constant 0 : i32
    %dma_start3A_452 = tpu.memref_slice %arg5[%dma_start3A_441, %dma_start3A_450, %dma_start3A_451] : memref<3x32x1024xf32, #tpu.memory_space<vmem>> -> memref<1x32x1024xf32, #tpu.memory_space<vmem>>
    %dma_start3A_453 = tpu.memref_squeeze %dma_start3A_452 : memref<1x32x1024xf32, #tpu.memory_space<vmem>> -> memref<32x1024xf32, #tpu.memory_space<vmem>>
    tpu.enqueue_dma source(%dma_start3A_453 : memref<32x1024xf32, #tpu.memory_space<vmem>>) target(%dma_start3A_449 : memref<32x1024xf32, #tpu.memory_space<hbm>>) target_semaphore(%arg10 : memref<!tpu.dma_semaphore, #tpu.memory_space<semaphore_mem>>)
    %dma_wait3A_454 = arith.constant 0 : i32
    %dma_wait3A_455 = arith.constant 0 : i32
    %dma_wait3A_456 = arith.constant 0 : i32
    %dma_wait3A_457 = tpu.memref_slice %arg5[%dma_wait3A_454, %dma_wait3A_455, %dma_wait3A_456] : memref<3x32x1024xf32, #tpu.memory_space<vmem>> -> memref<1x32x1024xf32, #tpu.memory_space<vmem>>
    %dma_wait3A_458 = tpu.memref_squeeze %dma_wait3A_457 : memref<1x32x1024xf32, #tpu.memory_space<vmem>> -> memref<32x1024xf32, #tpu.memory_space<vmem>>
    %dma_wait3A_459 = arith.constant 0 : i32
    %dma_wait3A_460 = tpu.memref_slice %arg3[%add3A_388, %dma_wait3A_459] : memref<8192x1024xf32, #tpu.memory_space<hbm>> -> memref<32x1024xf32, #tpu.memory_space<hbm>>
    %dma_wait3A_461 = arith.constant 0 : i32
    %dma_wait3A_462 = tpu.memref_slice %arg3[%add3A_388, %dma_wait3A_461] : memref<8192x1024xf32, #tpu.memory_space<hbm>> -> memref<32x1024xf32, #tpu.memory_space<hbm>>
    %dma_wait3A_463 = arith.constant 0 : i32
    %dma_wait3A_464 = arith.constant 0 : i32
    %dma_wait3A_465 = tpu.memref_slice %arg5[%dma_wait3A_454, %dma_wait3A_463, %dma_wait3A_464] : memref<3x32x1024xf32, #tpu.memory_space<vmem>> -> memref<1x32x1024xf32, #tpu.memory_space<vmem>>
    %dma_wait3A_466 = tpu.memref_squeeze %dma_wait3A_465 : memref<1x32x1024xf32, #tpu.memory_space<vmem>> -> memref<32x1024xf32, #tpu.memory_space<vmem>>
    tpu.wait_dma2 semaphore(%arg9 : memref<!tpu.dma_semaphore, #tpu.memory_space<semaphore_mem>>) src(%dma_wait3A_466 : memref<32x1024xf32, #tpu.memory_space<vmem>>) dst(%dma_wait3A_462 : memref<32x1024xf32, #tpu.memory_space<hbm>>)
    %dma_start3A_467 = arith.constant 6 : i32
    %dma_start3A_468 = arith.constant 0 : i32
    %dma_start3A_469 = arith.constant 0 : i32
    %dma_start3A_470 = arith.constant 0 : i32
    %dma_start3A_471 = tpu.memref_slice %arg5[%dma_start3A_468, %dma_start3A_469, %dma_start3A_470] : memref<3x32x1024xf32, #tpu.memory_space<vmem>> -> memref<1x32x1024xf32, #tpu.memory_space<vmem>>
    %dma_start3A_472 = tpu.memref_squeeze %dma_start3A_471 : memref<1x32x1024xf32, #tpu.memory_space<vmem>> -> memref<32x1024xf32, #tpu.memory_space<vmem>>
    %dma_start3A_473 = arith.constant 0 : i32
    %dma_start3A_474 = tpu.memref_slice %arg4[%dma_start3A_467, %dma_start3A_473] : memref<8x32xi32, #tpu.memory_space<vmem>> -> memref<1x32xi32, #tpu.memory_space<vmem>>
    %dma_start3A_475 = tpu.memref_squeeze %dma_start3A_474 : memref<1x32xi32, #tpu.memory_space<vmem>> -> memref<32xi32, #tpu.memory_space<vmem>>
    %dma_start3A_476 = arith.constant 0 : i32
    %dma_start3A_477 = arith.constant 0 : i32
    %dma_start3A_478 = tpu.memref_slice %arg2[%dma_start3A_476, %dma_start3A_477] : memref<8192x1024xf32, #tpu.memory_space<hbm>> -> memref<8192x1024xf32, #tpu.memory_space<hbm>>
    tpu.enqueue_indirect_dma source(%dma_start3A_478 : memref<8192x1024xf32, #tpu.memory_space<hbm>>) target(%dma_start3A_472 : memref<32x1024xf32, #tpu.memory_space<vmem>>) offsets(%dma_start3A_475 : memref<32xi32, #tpu.memory_space<vmem>>) semaphore(%arg6 : memref<!tpu.dma_semaphore, #tpu.memory_space<semaphore_mem>>)
    %dma_wait3A_479 = arith.constant 5 : i32
    %dma_wait3A_480 = arith.constant 2 : i32
    %dma_wait3A_481 = arith.constant 0 : i32
    %dma_wait3A_482 = arith.constant 0 : i32
    %dma_wait3A_483 = tpu.memref_slice %arg5[%dma_wait3A_480, %dma_wait3A_481, %dma_wait3A_482] : memref<3x32x1024xf32, #tpu.memory_space<vmem>> -> memref<1x32x1024xf32, #tpu.memory_space<vmem>>
    %dma_wait3A_484 = tpu.memref_squeeze %dma_wait3A_483 : memref<1x32x1024xf32, #tpu.memory_space<vmem>> -> memref<32x1024xf32, #tpu.memory_space<vmem>>
    %dma_wait3A_485 = arith.constant 0 : i32
    %dma_wait3A_486 = tpu.memref_slice %arg4[%dma_wait3A_479, %dma_wait3A_485] : memref<8x32xi32, #tpu.memory_space<vmem>> -> memref<1x32xi32, #tpu.memory_space<vmem>>
    %dma_wait3A_487 = tpu.memref_squeeze %dma_wait3A_486 : memref<1x32xi32, #tpu.memory_space<vmem>> -> memref<32xi32, #tpu.memory_space<vmem>>
    %dma_wait3A_488 = arith.constant 0 : i32
    %dma_wait3A_489 = arith.constant 0 : i32
    %dma_wait3A_490 = tpu.memref_slice %arg2[%dma_wait3A_488, %dma_wait3A_489] : memref<8192x1024xf32, #tpu.memory_space<hbm>> -> memref<8192x1024xf32, #tpu.memory_space<hbm>>
    tpu.wait_indirect_dma semaphore(%arg8 : memref<!tpu.dma_semaphore, #tpu.memory_space<semaphore_mem>>) src(%dma_wait3A_490 : memref<8192x1024xf32, #tpu.memory_space<hbm>>) dst(%dma_wait3A_484 : memref<32x1024xf32, #tpu.memory_space<vmem>>)
    %add3A_491 = arith.constant 160 : i32
    %add3A_492 = arith.addi %mul3A_2, %add3A_491 : i32
    %dma_start3A_493 = arith.constant 2 : i32
    %dma_start3A_494 = arith.constant 0 : i32
    %dma_start3A_495 = arith.constant 0 : i32
    %dma_start3A_496 = tpu.memref_slice %arg5[%dma_start3A_493, %dma_start3A_494, %dma_start3A_495] : memref<3x32x1024xf32, #tpu.memory_space<vmem>> -> memref<1x32x1024xf32, #tpu.memory_space<vmem>>
    %dma_start3A_497 = tpu.memref_squeeze %dma_start3A_496 : memref<1x32x1024xf32, #tpu.memory_space<vmem>> -> memref<32x1024xf32, #tpu.memory_space<vmem>>
    %dma_start3A_498 = arith.constant 0 : i32
    %dma_start3A_499 = tpu.memref_slice %arg3[%add3A_492, %dma_start3A_498] : memref<8192x1024xf32, #tpu.memory_space<hbm>> -> memref<32x1024xf32, #tpu.memory_space<hbm>>
    %dma_start3A_500 = arith.constant 0 : i32
    %dma_start3A_501 = tpu.memref_slice %arg3[%add3A_492, %dma_start3A_500] : memref<8192x1024xf32, #tpu.memory_space<hbm>> -> memref<32x1024xf32, #tpu.memory_space<hbm>>
    %dma_start3A_502 = arith.constant 0 : i32
    %dma_start3A_503 = arith.constant 0 : i32
    %dma_start3A_504 = tpu.memref_slice %arg5[%dma_start3A_493, %dma_start3A_502, %dma_start3A_503] : memref<3x32x1024xf32, #tpu.memory_space<vmem>> -> memref<1x32x1024xf32, #tpu.memory_space<vmem>>
    %dma_start3A_505 = tpu.memref_squeeze %dma_start3A_504 : memref<1x32x1024xf32, #tpu.memory_space<vmem>> -> memref<32x1024xf32, #tpu.memory_space<vmem>>
    tpu.enqueue_dma source(%dma_start3A_505 : memref<32x1024xf32, #tpu.memory_space<vmem>>) target(%dma_start3A_501 : memref<32x1024xf32, #tpu.memory_space<hbm>>) target_semaphore(%arg11 : memref<!tpu.dma_semaphore, #tpu.memory_space<semaphore_mem>>)
    %dma_wait3A_506 = arith.constant 1 : i32
    %dma_wait3A_507 = arith.constant 0 : i32
    %dma_wait3A_508 = arith.constant 0 : i32
    %dma_wait3A_509 = tpu.memref_slice %arg5[%dma_wait3A_506, %dma_wait3A_507, %dma_wait3A_508] : memref<3x32x1024xf32, #tpu.memory_space<vmem>> -> memref<1x32x1024xf32, #tpu.memory_space<vmem>>
    %dma_wait3A_510 = tpu.memref_squeeze %dma_wait3A_509 : memref<1x32x1024xf32, #tpu.memory_space<vmem>> -> memref<32x1024xf32, #tpu.memory_space<vmem>>
    %dma_wait3A_511 = arith.constant 0 : i32
    %dma_wait3A_512 = tpu.memref_slice %arg3[%add3A_440, %dma_wait3A_511] : memref<8192x1024xf32, #tpu.memory_space<hbm>> -> memref<32x1024xf32, #tpu.memory_space<hbm>>
    %dma_wait3A_513 = arith.constant 0 : i32
    %dma_wait3A_514 = tpu.memref_slice %arg3[%add3A_440, %dma_wait3A_513] : memref<8192x1024xf32, #tpu.memory_space<hbm>> -> memref<32x1024xf32, #tpu.memory_space<hbm>>
    %dma_wait3A_515 = arith.constant 0 : i32
    %dma_wait3A_516 = arith.constant 0 : i32
    %dma_wait3A_517 = tpu.memref_slice %arg5[%dma_wait3A_506, %dma_wait3A_515, %dma_wait3A_516] : memref<3x32x1024xf32, #tpu.memory_space<vmem>> -> memref<1x32x1024xf32, #tpu.memory_space<vmem>>
    %dma_wait3A_518 = tpu.memref_squeeze %dma_wait3A_517 : memref<1x32x1024xf32, #tpu.memory_space<vmem>> -> memref<32x1024xf32, #tpu.memory_space<vmem>>
    tpu.wait_dma2 semaphore(%arg10 : memref<!tpu.dma_semaphore, #tpu.memory_space<semaphore_mem>>) src(%dma_wait3A_518 : memref<32x1024xf32, #tpu.memory_space<vmem>>) dst(%dma_wait3A_514 : memref<32x1024xf32, #tpu.memory_space<hbm>>)
    %dma_start3A_519 = arith.constant 7 : i32
    %dma_start3A_520 = arith.constant 1 : i32
    %dma_start3A_521 = arith.constant 0 : i32
    %dma_start3A_522 = arith.constant 0 : i32
    %dma_start3A_523 = tpu.memref_slice %arg5[%dma_start3A_520, %dma_start3A_521, %dma_start3A_522] : memref<3x32x1024xf32, #tpu.memory_space<vmem>> -> memref<1x32x1024xf32, #tpu.memory_space<vmem>>
    %dma_start3A_524 = tpu.memref_squeeze %dma_start3A_523 : memref<1x32x1024xf32, #tpu.memory_space<vmem>> -> memref<32x1024xf32, #tpu.memory_space<vmem>>
    %dma_start3A_525 = arith.constant 0 : i32
    %dma_start3A_526 = tpu.memref_slice %arg4[%dma_start3A_519, %dma_start3A_525] : memref<8x32xi32, #tpu.memory_space<vmem>> -> memref<1x32xi32, #tpu.memory_space<vmem>>
    %dma_start3A_527 = tpu.memref_squeeze %dma_start3A_526 : memref<1x32xi32, #tpu.memory_space<vmem>> -> memref<32xi32, #tpu.memory_space<vmem>>
    %dma_start3A_528 = arith.constant 0 : i32
    %dma_start3A_529 = arith.constant 0 : i32
    %dma_start3A_530 = tpu.memref_slice %arg2[%dma_start3A_528, %dma_start3A_529] : memref<8192x1024xf32, #tpu.memory_space<hbm>> -> memref<8192x1024xf32, #tpu.memory_space<hbm>>
    tpu.enqueue_indirect_dma source(%dma_start3A_530 : memref<8192x1024xf32, #tpu.memory_space<hbm>>) target(%dma_start3A_524 : memref<32x1024xf32, #tpu.memory_space<vmem>>) offsets(%dma_start3A_527 : memref<32xi32, #tpu.memory_space<vmem>>) semaphore(%arg7 : memref<!tpu.dma_semaphore, #tpu.memory_space<semaphore_mem>>)
    %dma_wait3A_531 = arith.constant 6 : i32
    %dma_wait3A_532 = arith.constant 0 : i32
    %dma_wait3A_533 = arith.constant 0 : i32
    %dma_wait3A_534 = arith.constant 0 : i32
    %dma_wait3A_535 = tpu.memref_slice %arg5[%dma_wait3A_532, %dma_wait3A_533, %dma_wait3A_534] : memref<3x32x1024xf32, #tpu.memory_space<vmem>> -> memref<1x32x1024xf32, #tpu.memory_space<vmem>>
    %dma_wait3A_536 = tpu.memref_squeeze %dma_wait3A_535 : memref<1x32x1024xf32, #tpu.memory_space<vmem>> -> memref<32x1024xf32, #tpu.memory_space<vmem>>
    %dma_wait3A_537 = arith.constant 0 : i32
    %dma_wait3A_538 = tpu.memref_slice %arg4[%dma_wait3A_531, %dma_wait3A_537] : memref<8x32xi32, #tpu.memory_space<vmem>> -> memref<1x32xi32, #tpu.memory_space<vmem>>
    %dma_wait3A_539 = tpu.memref_squeeze %dma_wait3A_538 : memref<1x32xi32, #tpu.memory_space<vmem>> -> memref<32xi32, #tpu.memory_space<vmem>>
    %dma_wait3A_540 = arith.constant 0 : i32
    %dma_wait3A_541 = arith.constant 0 : i32
    %dma_wait3A_542 = tpu.memref_slice %arg2[%dma_wait3A_540, %dma_wait3A_541] : memref<8192x1024xf32, #tpu.memory_space<hbm>> -> memref<8192x1024xf32, #tpu.memory_space<hbm>>
    tpu.wait_indirect_dma semaphore(%arg6 : memref<!tpu.dma_semaphore, #tpu.memory_space<semaphore_mem>>) src(%dma_wait3A_542 : memref<8192x1024xf32, #tpu.memory_space<hbm>>) dst(%dma_wait3A_536 : memref<32x1024xf32, #tpu.memory_space<vmem>>)
    %add3A_543 = arith.constant 192 : i32
    %add3A_544 = arith.addi %mul3A_2, %add3A_543 : i32
    %dma_start3A_545 = arith.constant 0 : i32
    %dma_start3A_546 = arith.constant 0 : i32
    %dma_start3A_547 = arith.constant 0 : i32
    %dma_start3A_548 = tpu.memref_slice %arg5[%dma_start3A_545, %dma_start3A_546, %dma_start3A_547] : memref<3x32x1024xf32, #tpu.memory_space<vmem>> -> memref<1x32x1024xf32, #tpu.memory_space<vmem>>
    %dma_start3A_549 = tpu.memref_squeeze %dma_start3A_548 : memref<1x32x1024xf32, #tpu.memory_space<vmem>> -> memref<32x1024xf32, #tpu.memory_space<vmem>>
    %dma_start3A_550 = arith.constant 0 : i32
    %dma_start3A_551 = tpu.memref_slice %arg3[%add3A_544, %dma_start3A_550] : memref<8192x1024xf32, #tpu.memory_space<hbm>> -> memref<32x1024xf32, #tpu.memory_space<hbm>>
    %dma_start3A_552 = arith.constant 0 : i32
    %dma_start3A_553 = tpu.memref_slice %arg3[%add3A_544, %dma_start3A_552] : memref<8192x1024xf32, #tpu.memory_space<hbm>> -> memref<32x1024xf32, #tpu.memory_space<hbm>>
    %dma_start3A_554 = arith.constant 0 : i32
    %dma_start3A_555 = arith.constant 0 : i32
    %dma_start3A_556 = tpu.memref_slice %arg5[%dma_start3A_545, %dma_start3A_554, %dma_start3A_555] : memref<3x32x1024xf32, #tpu.memory_space<vmem>> -> memref<1x32x1024xf32, #tpu.memory_space<vmem>>
    %dma_start3A_557 = tpu.memref_squeeze %dma_start3A_556 : memref<1x32x1024xf32, #tpu.memory_space<vmem>> -> memref<32x1024xf32, #tpu.memory_space<vmem>>
    tpu.enqueue_dma source(%dma_start3A_557 : memref<32x1024xf32, #tpu.memory_space<vmem>>) target(%dma_start3A_553 : memref<32x1024xf32, #tpu.memory_space<hbm>>) target_semaphore(%arg9 : memref<!tpu.dma_semaphore, #tpu.memory_space<semaphore_mem>>)
    %dma_wait3A_558 = arith.constant 7 : i32
    %dma_wait3A_559 = arith.constant 1 : i32
    %dma_wait3A_560 = arith.constant 0 : i32
    %dma_wait3A_561 = arith.constant 0 : i32
    %dma_wait3A_562 = tpu.memref_slice %arg5[%dma_wait3A_559, %dma_wait3A_560, %dma_wait3A_561] : memref<3x32x1024xf32, #tpu.memory_space<vmem>> -> memref<1x32x1024xf32, #tpu.memory_space<vmem>>
    %dma_wait3A_563 = tpu.memref_squeeze %dma_wait3A_562 : memref<1x32x1024xf32, #tpu.memory_space<vmem>> -> memref<32x1024xf32, #tpu.memory_space<vmem>>
    %dma_wait3A_564 = arith.constant 0 : i32
    %dma_wait3A_565 = tpu.memref_slice %arg4[%dma_wait3A_558, %dma_wait3A_564] : memref<8x32xi32, #tpu.memory_space<vmem>> -> memref<1x32xi32, #tpu.memory_space<vmem>>
    %dma_wait3A_566 = tpu.memref_squeeze %dma_wait3A_565 : memref<1x32xi32, #tpu.memory_space<vmem>> -> memref<32xi32, #tpu.memory_space<vmem>>
    %dma_wait3A_567 = arith.constant 0 : i32
    %dma_wait3A_568 = arith.constant 0 : i32
    %dma_wait3A_569 = tpu.memref_slice %arg2[%dma_wait3A_567, %dma_wait3A_568] : memref<8192x1024xf32, #tpu.memory_space<hbm>> -> memref<8192x1024xf32, #tpu.memory_space<hbm>>
    tpu.wait_indirect_dma semaphore(%arg7 : memref<!tpu.dma_semaphore, #tpu.memory_space<semaphore_mem>>) src(%dma_wait3A_569 : memref<8192x1024xf32, #tpu.memory_space<hbm>>) dst(%dma_wait3A_563 : memref<32x1024xf32, #tpu.memory_space<vmem>>)
    %add3A_570 = arith.constant 224 : i32
    %add3A_571 = arith.addi %mul3A_2, %add3A_570 : i32
    %dma_start3A_572 = arith.constant 1 : i32
    %dma_start3A_573 = arith.constant 0 : i32
    %dma_start3A_574 = arith.constant 0 : i32
    %dma_start3A_575 = tpu.memref_slice %arg5[%dma_start3A_572, %dma_start3A_573, %dma_start3A_574] : memref<3x32x1024xf32, #tpu.memory_space<vmem>> -> memref<1x32x1024xf32, #tpu.memory_space<vmem>>
    %dma_start3A_576 = tpu.memref_squeeze %dma_start3A_575 : memref<1x32x1024xf32, #tpu.memory_space<vmem>> -> memref<32x1024xf32, #tpu.memory_space<vmem>>
    %dma_start3A_577 = arith.constant 0 : i32
    %dma_start3A_578 = tpu.memref_slice %arg3[%add3A_571, %dma_start3A_577] : memref<8192x1024xf32, #tpu.memory_space<hbm>> -> memref<32x1024xf32, #tpu.memory_space<hbm>>
    %dma_start3A_579 = arith.constant 0 : i32
    %dma_start3A_580 = tpu.memref_slice %arg3[%add3A_571, %dma_start3A_579] : memref<8192x1024xf32, #tpu.memory_space<hbm>> -> memref<32x1024xf32, #tpu.memory_space<hbm>>
    %dma_start3A_581 = arith.constant 0 : i32
    %dma_start3A_582 = arith.constant 0 : i32
    %dma_start3A_583 = tpu.memref_slice %arg5[%dma_start3A_572, %dma_start3A_581, %dma_start3A_582] : memref<3x32x1024xf32, #tpu.memory_space<vmem>> -> memref<1x32x1024xf32, #tpu.memory_space<vmem>>
    %dma_start3A_584 = tpu.memref_squeeze %dma_start3A_583 : memref<1x32x1024xf32, #tpu.memory_space<vmem>> -> memref<32x1024xf32, #tpu.memory_space<vmem>>
    tpu.enqueue_dma source(%dma_start3A_584 : memref<32x1024xf32, #tpu.memory_space<vmem>>) target(%dma_start3A_580 : memref<32x1024xf32, #tpu.memory_space<hbm>>) target_semaphore(%arg10 : memref<!tpu.dma_semaphore, #tpu.memory_space<semaphore_mem>>)
    %dma_wait3A_585 = arith.constant 2 : i32
    %dma_wait3A_586 = arith.constant 0 : i32
    %dma_wait3A_587 = arith.constant 0 : i32
    %dma_wait3A_588 = tpu.memref_slice %arg5[%dma_wait3A_585, %dma_wait3A_586, %dma_wait3A_587] : memref<3x32x1024xf32, #tpu.memory_space<vmem>> -> memref<1x32x1024xf32, #tpu.memory_space<vmem>>
    %dma_wait3A_589 = tpu.memref_squeeze %dma_wait3A_588 : memref<1x32x1024xf32, #tpu.memory_space<vmem>> -> memref<32x1024xf32, #tpu.memory_space<vmem>>
    %dma_wait3A_590 = arith.constant 0 : i32
    %dma_wait3A_591 = tpu.memref_slice %arg3[%add3A_492, %dma_wait3A_590] : memref<8192x1024xf32, #tpu.memory_space<hbm>> -> memref<32x1024xf32, #tpu.memory_space<hbm>>
    %dma_wait3A_592 = arith.constant 0 : i32
    %dma_wait3A_593 = tpu.memref_slice %arg3[%add3A_492, %dma_wait3A_592] : memref<8192x1024xf32, #tpu.memory_space<hbm>> -> memref<32x1024xf32, #tpu.memory_space<hbm>>
    %dma_wait3A_594 = arith.constant 0 : i32
    %dma_wait3A_595 = arith.constant 0 : i32
    %dma_wait3A_596 = tpu.memref_slice %arg5[%dma_wait3A_585, %dma_wait3A_594, %dma_wait3A_595] : memref<3x32x1024xf32, #tpu.memory_space<vmem>> -> memref<1x32x1024xf32, #tpu.memory_space<vmem>>
    %dma_wait3A_597 = tpu.memref_squeeze %dma_wait3A_596 : memref<1x32x1024xf32, #tpu.memory_space<vmem>> -> memref<32x1024xf32, #tpu.memory_space<vmem>>
    tpu.wait_dma2 semaphore(%arg11 : memref<!tpu.dma_semaphore, #tpu.memory_space<semaphore_mem>>) src(%dma_wait3A_597 : memref<32x1024xf32, #tpu.memory_space<vmem>>) dst(%dma_wait3A_593 : memref<32x1024xf32, #tpu.memory_space<hbm>>)
    %dma_wait3A_598 = arith.constant 0 : i32
    %dma_wait3A_599 = arith.constant 0 : i32
    %dma_wait3A_600 = arith.constant 0 : i32
    %dma_wait3A_601 = tpu.memref_slice %arg5[%dma_wait3A_598, %dma_wait3A_599, %dma_wait3A_600] : memref<3x32x1024xf32, #tpu.memory_space<vmem>> -> memref<1x32x1024xf32, #tpu.memory_space<vmem>>
    %dma_wait3A_602 = tpu.memref_squeeze %dma_wait3A_601 : memref<1x32x1024xf32, #tpu.memory_space<vmem>> -> memref<32x1024xf32, #tpu.memory_space<vmem>>
    %dma_wait3A_603 = arith.constant 0 : i32
    %dma_wait3A_604 = tpu.memref_slice %arg3[%add3A_544, %dma_wait3A_603] : memref<8192x1024xf32, #tpu.memory_space<hbm>> -> memref<32x1024xf32, #tpu.memory_space<hbm>>
    %dma_wait3A_605 = arith.constant 0 : i32
    %dma_wait3A_606 = tpu.memref_slice %arg3[%add3A_544, %dma_wait3A_605] : memref<8192x1024xf32, #tpu.memory_space<hbm>> -> memref<32x1024xf32, #tpu.memory_space<hbm>>
    %dma_wait3A_607 = arith.constant 0 : i32
    %dma_wait3A_608 = arith.constant 0 : i32
    %dma_wait3A_609 = tpu.memref_slice %arg5[%dma_wait3A_598, %dma_wait3A_607, %dma_wait3A_608] : memref<3x32x1024xf32, #tpu.memory_space<vmem>> -> memref<1x32x1024xf32, #tpu.memory_space<vmem>>
    %dma_wait3A_610 = tpu.memref_squeeze %dma_wait3A_609 : memref<1x32x1024xf32, #tpu.memory_space<vmem>> -> memref<32x1024xf32, #tpu.memory_space<vmem>>
    tpu.wait_dma2 semaphore(%arg9 : memref<!tpu.dma_semaphore, #tpu.memory_space<semaphore_mem>>) src(%dma_wait3A_610 : memref<32x1024xf32, #tpu.memory_space<vmem>>) dst(%dma_wait3A_606 : memref<32x1024xf32, #tpu.memory_space<hbm>>)
    %dma_wait3A_611 = arith.constant 1 : i32
    %dma_wait3A_612 = arith.constant 0 : i32
    %dma_wait3A_613 = arith.constant 0 : i32
    %dma_wait3A_614 = tpu.memref_slice %arg5[%dma_wait3A_611, %dma_wait3A_612, %dma_wait3A_613] : memref<3x32x1024xf32, #tpu.memory_space<vmem>> -> memref<1x32x1024xf32, #tpu.memory_space<vmem>>
    %dma_wait3A_615 = tpu.memref_squeeze %dma_wait3A_614 : memref<1x32x1024xf32, #tpu.memory_space<vmem>> -> memref<32x1024xf32, #tpu.memory_space<vmem>>
    %dma_wait3A_616 = arith.constant 0 : i32
    %dma_wait3A_617 = tpu.memref_slice %arg3[%add3A_571, %dma_wait3A_616] : memref<8192x1024xf32, #tpu.memory_space<hbm>> -> memref<32x1024xf32, #tpu.memory_space<hbm>>
    %dma_wait3A_618 = arith.constant 0 : i32
    %dma_wait3A_619 = tpu.memref_slice %arg3[%add3A_571, %dma_wait3A_618] : memref<8192x1024xf32, #tpu.memory_space<hbm>> -> memref<32x1024xf32, #tpu.memory_space<hbm>>
    %dma_wait3A_620 = arith.constant 0 : i32
    %dma_wait3A_621 = arith.constant 0 : i32
    %dma_wait3A_622 = tpu.memref_slice %arg5[%dma_wait3A_611, %dma_wait3A_620, %dma_wait3A_621] : memref<3x32x1024xf32, #tpu.memory_space<vmem>> -> memref<1x32x1024xf32, #tpu.memory_space<vmem>>
    %dma_wait3A_623 = tpu.memref_squeeze %dma_wait3A_622 : memref<1x32x1024xf32, #tpu.memory_space<vmem>> -> memref<32x1024xf32, #tpu.memory_space<vmem>>
    tpu.wait_dma2 semaphore(%arg10 : memref<!tpu.dma_semaphore, #tpu.memory_space<semaphore_mem>>) src(%dma_wait3A_623 : memref<32x1024xf32, #tpu.memory_space<vmem>>) dst(%dma_wait3A_619 : memref<32x1024xf32, #tpu.memory_space<hbm>>)
    return
  }
}

</mosaic_0001>

<sc_bundles>
// kernel: kernel.3.cloned.1.call-start
scs
__scs_entry_jumppad:
0x0: {  	(pc) =	sbr.rel $0x88, $3  }
0x1: {  	(tag) =	ssettag $0x0;
	lr =	simm.s32 $0x1  }
0x2: {  	[smem:$0x3FA0] =	sst lr;
	_ =	strace $0xD0000000  }
0x3: {  	_ = 	snop  }
0x4: {  	_ = 	snop  }
0x5: {  	_ = 	snop  }
0x6: {  	_ = 	snop  }
0x7: {  	_ = 	snop  }
__scs_overlays_trampoline_lowered:
0x8: {  	[smem:$0x3FAF] =	sst s0  }
0x9: {  	[smem:$0x3FB0] =	sst s1  }
0xa: {  	[smem:$0x3FB1] =	sst s2  }
0xb: {  	[smem:$0x3FB2] =	sst s3  }
0xc: {  	[smem:$0x3FB3] =	sst s4  }
0xd: {  	[smem:$0x3FB4] =	sst s5  }
0xe: {  	[smem:$0x3FB5] =	sst s6  }
0xf: {  	[smem:$0x3FB6] =	sst s7  }
0x10: {  	[smem:$0x3FB7] =	sst s8  }
0x11: {  	[smem:$0x3FB8] =	sst s9;
	s0 =	simm.s32 @!p0 $0x0  }
0x12: {  	s1 =	sld [smem:$0x3F9E];
	s0 =	simm.s32 @p0 $0x1  }
0x13: {  	[smem:$0x3FB9] =	sst s0;
	s0 =	simm.s32 @!p1 $0x0  }
0x14: {  	s2 =	sld [smem:$0x3F9D];
	s0 =	simm.s32 @p1 $0x1  }
0x15: {  	[smem:$0x3FBA] =	sst s0;
	s0 =	simm.s32 @!p2 $0x0  }
0x16: {  	s3 =	sld [smem:$0x3FDB];
	s0 =	simm.s32 @p2 $0x1  }
0x17: {  	s4 =	simm.s32 $0x1BF5;
	[smem:$0x3FBC] =	sst s0  }
0x18: {  	s0 =	sld [smem:$0x3F9F];
	_ =	swait.ge [sflag:s4], $0x0  }
0x19: {  	s7 =	sld [smem:$0x3FA0]  }
0x1a: {  	s8 =	sadd.s32 $0xFFFFE003, lr  }
0x1b: {  	s9 =	sadd.s32 $0xFFFFFEF7, lr;
	s5 =	simm.s32 $0xFFFFFFFF;
	p2 =	slt.u32 s8, $0xFFFFF086  }
0x1c: {  	p1 =	slt.u32 s9, $0xF7A;
	s5 =	simm.s32 @!p2 $0x0  }
0x1d: {  	s5 =	simm.s32 @p1 $0x1;
	p0 =	seq.s32 s7, s2  }
0x1e: {  	s7 =	smul.u32 @!p0 $0xF7A, s2;
	p2 =	seq.s32 @!p0 s5, $0x0  }
0x1f: {  	s9 =	smul.u32 $0xF7A, s1;
	s8 =	simm.s32 @!p0 $0x1BF5;
	p2 =	por !p2, p0  }
0x20: {  	[sflag:s8] =	ssyncset.s32 @!p0 $0xFFFFF086;
	s6 =	sadd.s32 @!p0 s3, s7;
	s7 =	simm.s32 @!p0 $0x108  }
0x21: {  	s3 =	sadd.s32 s3, s9;
	s6 =	sadd.s32 @!p0 $0x88, s6;
	s7 =	simm.s32 @p2 $0x1082  }
0x22: {  	[simem:s7], [sflag:s8] =	dma.local @!p0 [hbm:s6], $0xF7A  }
0x23: {  	s9 =	sor.u32 $0xD0000000, s2;
	s6 =	simm.s32 $0x108;
	_ =	swait.ge @!p0 [sflag:s8], $0x0  }
0x24: {  	s3 =	sadd.s32 $0x88, s3;
	s6 =	simm.s32 @!p1 $0x1082;
	[sflag:s4] =	ssyncset.s32 $0xFFFFF086  }
0x25: {  	[simem:s6], [sflag:s4] =	dma.local [hbm:s3], $0xF7A  }
0x26: {  	[smem:$0x3FA0] =	sst s1;
	(tag) =	ssettag s2;
	_ =	strace s9  }
0x27: {  	s1 =	sld [smem:$0x3FB0]  }
0x28: {  	s2 =	sld [smem:$0x3FB1]  }
0x29: {  	s4 =	sld [smem:$0x3FB3]  }
0x2a: {  	p0 =	seq.s32 s5, $0x0;
	s5 =	sld [smem:$0x3FB4]  }
0x2b: {  	s6 =	sld [smem:$0x3FB5]  }
0x2c: {  	s7 =	sld [smem:$0x3FB6]  }
0x2d: {  	s3 =	simm.s32 $0x108;
	s8 =	sld [smem:$0x3FB7]  }
0x2e: {  	s3 =	simm.s32 @!p0 $0x1082;
	s9 =	sld [smem:$0x3FB8]  }
0x2f: {  	lr =	sadd.s32 s0, s3;
	s0 =	sld [smem:$0x3FAF]  }
0x30: {  	s3 =	sld [smem:$0x3FB2]  }
0x31: {  	[smem:$0x3FBB] =	sst s10  }
0x32: {  	s10 =	sld [smem:$0x3FB9];
	_ =	sdelay $0x3  }
0x33: {  	p0 =	seq.s32 s10, $0x1;
	s10 =	sld [smem:$0x3FBB];
	_ =	sdelay $0x3  }
0x34: {  	[smem:$0x3FBB] =	sst s10  }
0x35: {  	s10 =	sld [smem:$0x3FBA];
	_ =	sdelay $0x3  }
0x36: {  	p1 =	seq.s32 s10, $0x1;
	s10 =	sld [smem:$0x3FBB];
	_ =	sdelay $0x3  }
0x37: {  	[smem:$0x3FBB] =	sst s10  }
0x38: {  	s10 =	sld [smem:$0x3FBC]  }
0x39: {  	_ = 	snop;
	(pc) =	sbr.ind lr, $3  }
0x3a: {  	_ = 	snop  }
0x3b: {  	_ = 	snop  }
0x3c: {  	p2 =	seq.s32 s10, $0x1;
	s10 =	sld [smem:$0x3FBB]  }
0x3d: {  	_ =	shalt  }
0x3e: {  	_ =	shalt  }
0x3f: {  	_ =	shalt  }
0x40: {  	_ =	shalt  }
0x41: {  	_ =	shalt  }
0x42: {  	_ =	shalt  }
0x43: {  	_ =	shalt  }
0x44: {  	_ =	shalt  }
0x45: {  	_ =	shalt  }
0x46: {  	_ =	shalt  }
0x47: {  	_ =	shalt  }
0x48: {  	_ =	shalt  }
0x49: {  	_ =	shalt  }
0x4a: {  	_ =	shalt  }
0x4b: {  	_ =	shalt  }
0x4c: {  	_ =	shalt  }
0x4d: {  	_ =	shalt  }
0x4e: {  	_ =	shalt  }
0x4f: {  	_ =	shalt  }
0x50: {  	_ =	shalt  }
0x51: {  	_ =	shalt  }
0x52: {  	_ =	shalt  }
0x53: {  	_ =	shalt  }
0x54: {  	_ =	shalt  }
0x55: {  	_ =	shalt  }
0x56: {  	_ =	shalt  }
0x57: {  	_ =	shalt  }
0x58: {  	_ =	shalt  }
0x59: {  	_ =	shalt  }
0x5a: {  	_ =	shalt  }
0x5b: {  	_ =	shalt  }
0x5c: {  	_ =	shalt  }
0x5d: {  	_ =	shalt  }
0x5e: {  	_ =	shalt  }
0x5f: {  	_ =	shalt  }
0x60: {  	_ =	shalt  }
0x61: {  	_ =	shalt  }
0x62: {  	_ =	shalt  }
0x63: {  	_ =	shalt  }
0x64: {  	_ =	shalt  }
0x65: {  	_ =	shalt  }
0x66: {  	_ =	shalt  }
0x67: {  	_ =	shalt  }
0x68: {  	_ =	shalt  }
0x69: {  	_ =	shalt  }
0x6a: {  	_ =	shalt  }
0x6b: {  	_ =	shalt  }
0x6c: {  	_ =	shalt  }
0x6d: {  	_ =	shalt  }
0x6e: {  	_ =	shalt  }
0x6f: {  	_ =	shalt  }
0x70: {  	_ =	shalt  }
0x71: {  	_ =	shalt  }
0x72: {  	_ =	shalt  }
0x73: {  	_ =	shalt  }
0x74: {  	_ =	shalt  }
0x75: {  	_ =	shalt  }
0x76: {  	_ =	shalt  }
0x77: {  	_ =	shalt  }
0x78: {  	_ =	shalt  }
0x79: {  	_ =	shalt  }
0x7a: {  	_ =	shalt  }
0x7b: {  	_ =	shalt  }
0x7c: {  	_ =	shalt  }
0x7d: {  	_ =	shalt  }
0x7e: {  	_ =	shalt  }
0x7f: {  	_ =	shalt  }
0x80: {  	_ =	shalt  }
0x81: {  	_ =	shalt  }
0x82: {  	_ =	shalt  }
0x83: {  	_ =	shalt  }
0x84: {  	_ =	shalt  }
0x85: {  	_ =	shalt  }
0x86: {  	_ =	shalt  }
0x87: {  	_ =	shalt  }
.Lfunc_end0:
.L_simem_size_0:
called_computation_lowered:
.L_overlay_start_0:
0x88: {  	s2 =	sld [smem:$0x3FD9]  }
0x89: {  	s3 =	sld [smem:$0x3FFE];
	_ =	sdelay $0x1  }
0x8a: {  	s1 =	srdreg.scid  }
0x8b: {  	s0 =	sand.u32 $0x1, s1  }
0x8c: {  	s18 =	sshll.u32 s0, $0xA;
	s2 =	sadd.s32 s3, s2  }
0x8d: {  	s2 =	sadd.s32 s2, s18  }
0x8e: {  	[smem:$0x3FC7] =	sst s2  }
0x8f: {  	_ = 	snop  }
0x90: {  	s2 =	sld [smem:$0x3FC9]  }
0x91: {  	s19 =	sld [smem:$0x3FD0];
	(tm) =	ssettm $0x1  }
0x92: {  	s4 =	sld [smem:$0x3FFB];
	_ =	sdelay $0x3  }
0x93: {  	_ =	strace s4  }
0x94: {  	s4 =	sld [smem:$0x3FFC];
	_ =	sdelay $0x3  }
0x95: {  	_ =	strace s4  }
0x96: {  	s4 =	sld [smem:$0x3FFD];
	_ =	sdelay $0x3  }
0x97: {  	_ =	strace s4  }
0x98: {  	_ =	strace $0x8FFFFFFF  }
0x99: {  	s20 =	sld [smem:$0x3FDB];
	_ =	sdelay $0x1  }
0x9a: {  	s5 =	simm.s32 $_scs_section_size  }
0x9b: {  	s6 =	simm.s32 $_size__tile_overlayer_lowered;
	s7 =	simm.s32 $_tile_overlayer_lowered  }
0x9c: {  	s23 =	simm.s32 $0x1BFF;
	s22 =	sshll.u32 s7, $0x1;
	s4 =	sadd.s32 s5, s20  }
0x9d: {  	s8 =	simm.s32 $0x0;
	s21 =	sshll.u32 s6, $0x1;
	s6 =	sadd.s32 s22, s4  }
0x9e: {  	[timem:s8], [sflag:s23] =	dma.local [hbm:s6], s21  }
0x9f: {  	_ =	swait.ge [sflag:s23], s21  }
0xa0: {  	s5 =	ssub.s32 $0x0, s21;
	[sflag:s23] =	ssyncset.done $0x0  }
0xa1: {  	[sflag:s23] =	ssyncadd.s32 s5;
	_ =	sdelay $0x1  }
0xa2: {  	s24 =	simm.s32 $0x1B8B  }
0xa3: {  	_ =	swait.ge [sflag:s24], $0x1  }
0xa4: {  	[sflag:s24] =	ssyncset.done $0x0  }
0xa5: {  	s25 =	simm.s32 $0x1B8E;
	[sflag:s24] =	ssyncadd.s32 $0xFFFFFFFF  }
0xa6: {  	s26 =	simm.s32 $execute0_lowered;
	[smem:$0x3FD2] =	sst s25  }
0xa7: {  	s5 =	sshll.u32 s26, $0x1;
	_ =	strace $0x80000046;
	[dreg:$0x1] =	wrdreg $0xFFFFFFFF  }
0xa8: {  	s28 =	simm.s32 $_size_execute0_lowered;
	s4 =	sadd.s32 s4, s5;
	[dreg:$0x0] =	wrdreg $0x0  }
0xa9: {  	s5 =	sshll.u32 s28, $0x1;
	[dreg:$0x2] =	wrdreg s4  }
0xaa: {  	[dreg:$0x3] =	wrdreg s5  }
0xab: {  	[dreg:$0x4] =	wrdreg $0xC0  }
0xac: {  	_ =	task [dreg:s8], $0x5FFFF  }
0xad: {  	[dreg:$0x1] =	wrdreg $0xFFFFFFFF  }
0xae: {  	[dreg:$0x0] =	wrdreg $0x60  }
0xaf: {  	[dreg:$0x2] =	wrdreg s2  }
0xb0: {  	[dreg:$0x3] =	wrdreg s19  }
0xb1: {  	[dreg:$0x4] =	wrdreg $0x9  }
0xb2: {  	_ =	task.clear_ibuf [dreg:s8], $0x5FFFF;
	_ =	strace $0x90000046  }
0xb3: {  	s29 =	simm.s32 $0x9;
	_ =	strace $0x80000048  }
0xb4: {  	_ =	swait.ge [sflag:s29], $0x1  }
0xb5: {  	[sflag:s29] =	ssyncadd.s32 $0xFFFFFFFF  }
0xb6: {  	_ =	strace $0x90000048  }
0xb7: {  	_ =	sfence  }
0xb8: {  	s30 =	sld [smem:$0x0];
	_ =	sdelay $0x2  }
0xb9: {  	s31 =	sshll.u32 s1, $0xD;
	s1 =	sshrl.u32 s1, $0x2  }
0xba: {  	s3 =	sand.u32 $0x4000, s31;
	s1 =	sadd.s32 s1, s30  }
0xbb: {  	s0 =	sor.u32 s3, s0;
	s1 =	sshll.u32 s1, $0x11  }
0xbc: {  	s0 =	sor.u32 s1, s0  }
0xbd: {  	s0 =	sadd.s32 $0x8F2B, s0  }
0xbe: {  	[sflag:s0] =	ssyncadd.remote.s32 $0x1  }
0xbf: {  	_ =	sfence.sel $0xFFFF  }
0xc0: {  	[dreg:$0x0] =	wrdreg $0xFFFFFFFF;
	(pc) =	sbr.abs _section_cstart, $3  }
0xc1: {  	[dreg:$0x1] =	wrdreg $0xFFFFFFFF  }
0xc2: {  	_ =	task.clear_ibuf [dreg:s8], $0x2FFFF;
	_ =	strace $0x9FFFFFFF  }
0xc3: {  	(tm) =	ssettm $0x7FFFFFFF  }
tec
execute0_lowered:
.L_overlay_start_1:
0x0: {  	(tag) =	ssettag $0x1  }
0x1: {  	s1 =	rddreg [dreg:$0x0]  }
0x2: {  	s0 =	rddreg [dreg:$0x1];
	s2 =	srdreg.scid  }
0x3: {  	s3 =	simm.s32 $0x0;
	s6 =	stileid.u32;
	s28 =	simm.s32 $0x16400  }
0x4: {  	s29 =	simm.s32 $0x16C00;
	s30 =	simm.s32 $0x17400;
	s2 =	sand.u32 $0x1, s2  }
0x5: {  	s31 =	simm.s32 $0x17C00;
	[smem:$0x7FF] =	sst s3;
	s4 =	ssub.s32 $0x2, s2  }
0x6: {  	s6 =	sshll.u32 s6, $0x9;
	s2 =	sshll.u32 s2, $0x8;
	s5 =	sshrl.u32 s4, $0x1  }
0x7: {  	_ =	strace $0x80000047;
	s2 =	sor.u32 s2, s6;
	s4 =	ssub.s32 s4, s5  }
0x8: {  	s10 =	sxor.u32 $0x1FFF, s2;
	s11 =	sxor.u32 $0x1FEF, s2;
	s12 =	sxor.u32 $0x1FDF, s2  }
0x9: {  	s13 =	sxor.u32 $0x1FCF, s2;
	s14 =	sxor.u32 $0x1FBF, s2;
	s15 =	sxor.u32 $0x1FAF, s2  }
0xa: {  	s16 =	sxor.u32 $0x1F9F, s2;
	s17 =	sxor.u32 $0x1F8F, s2;
	s25 =	sshll.u32 s2, $0x7  }
0xb: {  	v14 =	vlaneseq.u32;
	s18 =	sxor.u32 $0x1F7F, s2;
	s19 =	sxor.u32 $0x1F6F, s2;
	s20 =	sxor.u32 $0x1F5F, s2  }
0xc: {  	v18 =	vmul.u32 $0xFFFFFFFF, v14;
	s22 =	sxor.u32 $0x1F4F, s2;
	s23 =	sxor.u32 $0x1F3F, s2;
	s9 =	sxor.u32 $0x1F2F, s2  }
0xd: {  	s24 =	sxor.u32 $0x1F1F, s2;
	s21 =	sxor.u32 $0x1F0F, s2;
	s7 =	sadd.s32 s0, s25  }
0xe: {  	v7 =	vadd.s32 s17, v18;
	s17 =	simm.s32 $0x1;
	v9 =	vadd.s32 s19, v18;
	v10 =	vadd.s32 s20, v18;
	s19 =	simm.s32 $0x2;
	s20 =	simm.s32 $0x4  }
0xf: {  	v0 =	vadd.s32 s10, v18;
	v1 =	vadd.s32 s11, v18;
	v12 =	vadd.s32 s23, v18;
	s23 =	simm.s32 $0x6;
	s10 =	simm.s32 $0x11C00;
	s11 =	simm.s32 $0x12400  }
0x10: {  	v2 =	vadd.s32 s12, v18;
	s12 =	simm.s32 $0x12C00;
	s0 =	sadd.s32 $0x1000, s7;
	[dreg:$0xa] =	wrdreg s7  }
0x11: {  	v3 =	vadd.s32 s13, v18;
	s13 =	simm.s32 $0x13400;
	s26 =	sadd.s32 $0x2000, s7;
	[dreg:$0x3] =	wrdreg s0  }
0x12: {  	v4 =	vadd.s32 s14, v18;
	s14 =	simm.s32 $0x13C00;
	s5 =	sadd.s32 $0x3000, s7;
	[dreg:$0x4] =	wrdreg s26  }
0x13: {  	v5 =	vadd.s32 s15, v18;
	s15 =	simm.s32 $0x14400;
	s6 =	sadd.s32 $0x4000, s7;
	v11 =	vshll.u32 v0, $0x3;
	[dreg:$0x5] =	wrdreg s5  }
0x14: {  	v6 =	vadd.s32 s16, v18;
	s16 =	simm.s32 $0x14C00;
	s8 =	sadd.s32 $0x5000, s7;
	v13 =	vand.u32 $0x7, v0;
	[dreg:$0x6] =	wrdreg s6;
	v15 =	vand.u32 $0xFFFFFFC0, v11  }
0x15: {  	vm0 =	vmmov $0xffff;
	v8 =	vadd.s32 s18, v18;
	s18 =	simm.s32 $0x15400;
	s25 =	sadd.s32 $0x6000, s7;
	[dreg:$0x7] =	wrdreg s8;
	v16 =	vor.u32 v13, v15  }
0x16: {  	s5 =	sadd.s32 $0x100, s1;
	s6 =	sadd.s32 $0x200, s1;
	[dreg:$0x8] =	wrdreg s25;
	v13 =	vand.u32 $0x7, v14;
	v15 =	vshrl.u32 v14, $0x3;
	v14 =	vor.u32 $0x8, v14  }
0x17: {  	s26 =	sadd.s32 $0x7000, s7;
	s7 =	sadd.s32 $0x300, s1;
	s8 =	smax.u32 s4, $0x1;
	v19 =	vperm.xlane v16, v13;
	v15 =	vmul.u32 $0x8, v15;
	v20 =	vperm.xlane v16, v14  }
0x18: {  	v17 =	vadd.s32 s24, v18;
	v11 =	vadd.s32 s22, v18;
	s22 =	simm.s32 $0x5;
	s25 =	simm.s32 $0x400;
	[dreg:$0x9] =	wrdreg s26;
	v16 =	vadd.s32 s9, v18  }
0x19: {  	s26 =	simm.s32 $0x3;
	v18 =	vadd.s32 s21, v18;
	s9 =	simm.s32 $0x11400;
	s21 =	simm.s32 $0x15C00;
	v19 =	vadd.s32 v15, v19;
	v20 =	vadd.s32 v15, v20  }
.LBB2_1:
0x1a: {  	[tilespmem:$0x0] =	vst v0  }
0x1b: {  	[tilespmem:$0x10] =	vst v1  }
0x1c: {  	[tilespmem:$0x80] =	vst v2  }
0x1d: {  	[tilespmem:$0x90] =	vst v3  }
0x1e: {  	[tilespmem:$0x100] =	vst v4  }
0x1f: {  	[tilespmem:$0x110] =	vst v5  }
0x20: {  	[tilespmem:$0x180] =	vst v6  }
0x21: {  	[tilespmem:$0x190] =	vst v7  }
0x22: {  	[tilespmem:$0x200] =	vst v8  }
0x23: {  	[tilespmem:$0x210] =	vst v9  }
0x24: {  	[tilespmem:$0x280] =	vst v10  }
0x25: {  	[tilespmem:$0x290] =	vst v11  }
0x26: {  	[tilespmem:$0x300] =	vst v12  }
0x27: {  	[tilespmem:$0x310] =	vst v16  }
0x28: {  	[tilespmem:$0x380] =	vst v17  }
0x29: {  	[tilespmem:$0x390] =	vst v18  }
0x2a: {  	[tilespmem:s25], [sflag:$0x1] =	stream.indirect_vreg.gather [hbm4b:s1+s3], $0x80, v19, vm0, $0xb8;
	[tilespmem:$0x18400] =	vst v63  }
0x2b: {  	s0 =	simm.s32 $0xC00  }
0x2c: {  	[tilespmem:s0], [sflag:$0x1] =	stream.indirect_vreg.gather [hbm4b:s5+s3], $0x80, v19, vm0, $0xb8;
	[tilespmem:$0x18400] =	vst v63  }
0x2d: {  	s24 =	simm.s32 $0x1400  }
0x2e: {  	[tilespmem:s24], [sflag:$0x1] =	stream.indirect_vreg.gather [hbm4b:s6+s3], $0x80, v19, vm0, $0xb8;
	[tilespmem:$0x18400] =	vst v63  }
0x2f: {  	s2 =	simm.s32 $0x1C00  }
0x30: {  	[tilespmem:s2], [sflag:$0x1] =	stream.indirect_vreg.gather [hbm4b:s7+s3], $0x80, v19, vm0, $0xb8;
	[tilespmem:$0x18400] =	vst v63  }
0x31: {  	s4 =	simm.s32 $0x2400  }
0x32: {  	[tilespmem:s4], [sflag:$0x1] =	stream.indirect_vreg.gather [hbm4b:s1+s3], $0x80, v20, vm0, $0xb8;
	[tilespmem:$0x18400] =	vst v63  }
0x33: {  	s24 =	simm.s32 $0x2C00  }
0x34: {  	[tilespmem:s24], [sflag:$0x1] =	stream.indirect_vreg.gather [hbm4b:s5+s3], $0x80, v20, vm0, $0xb8;
	[tilespmem:$0x18400] =	vst v63  }
0x35: {  	s2 =	simm.s32 $0x3400  }
0x36: {  	[tilespmem:s2], [sflag:$0x1] =	stream.indirect_vreg.gather [hbm4b:s6+s3], $0x80, v20, vm0, $0xb8;
	[tilespmem:$0x18400] =	vst v63  }
0x37: {  	s4 =	simm.s32 $0x3C00  }
0x38: {  	[tilespmem:s4], [sflag:$0x1] =	stream.indirect_vreg.gather [hbm4b:s7+s3], $0x80, v20, vm0, $0xb8;
	[tilespmem:$0x18400] =	vst v63  }
0x39: {  	v21 =	vld [tilespmem:$0x10];
	_ =	sdelay $0x4  }
0x3a: {  	v22 =	vshll.u32 v21, $0x3  }
0x3b: {  	v21 =	vand.u32 $0x7, v21;
	v22 =	vand.u32 $0xFFFFFFC0, v22  }
0x3c: {  	v21 =	vor.u32 v21, v22  }
0x3d: {  	v22 =	vperm.xlane v21, v13;
	_ =	sdelay $0x1  }
0x3e: {  	v22 =	vadd.s32 v15, v22;
	_ =	sdelay $0x3  }
0x3f: {  	s24 =	simm.s32 $0x4400  }
0x40: {  	[tilespmem:s24], [sflag:$0x1] =	stream.indirect_vreg.gather [hbm4b:s1+s3], $0x80, v22, vm0, $0xb8;
	[tilespmem:$0x18400] =	vst v63  }
0x41: {  	s2 =	simm.s32 $0x4C00;
	v21 =	vperm.xlane v21, v14  }
0x42: {  	[tilespmem:s2], [sflag:$0x1] =	stream.indirect_vreg.gather [hbm4b:s5+s3], $0x80, v22, vm0, $0xb8;
	[tilespmem:$0x18400] =	vst v63  }
0x43: {  	s4 =	simm.s32 $0x5400;
	v21 =	vadd.s32 v15, v21  }
0x44: {  	[tilespmem:s4], [sflag:$0x1] =	stream.indirect_vreg.gather [hbm4b:s6+s3], $0x80, v22, vm0, $0xb8;
	[tilespmem:$0x18400] =	vst v63  }
0x45: {  	s24 =	simm.s32 $0x5C00  }
0x46: {  	[tilespmem:s24], [sflag:$0x1] =	stream.indirect_vreg.gather [hbm4b:s7+s3], $0x80, v22, vm0, $0xb8;
	[tilespmem:$0x18400] =	vst v63  }
0x47: {  	s2 =	simm.s32 $0x6400  }
0x48: {  	[tilespmem:s2], [sflag:$0x1] =	stream.indirect_vreg.gather [hbm4b:s1+s3], $0x80, v21, vm0, $0xb8;
	[tilespmem:$0x18400] =	vst v63  }
0x49: {  	s4 =	simm.s32 $0x6C00  }
0x4a: {  	[tilespmem:s4], [sflag:$0x1] =	stream.indirect_vreg.gather [hbm4b:s5+s3], $0x80, v21, vm0, $0xb8;
	[tilespmem:$0x18400] =	vst v63  }
0x4b: {  	s24 =	simm.s32 $0x7400  }
0x4c: {  	[tilespmem:s24], [sflag:$0x1] =	stream.indirect_vreg.gather [hbm4b:s6+s3], $0x80, v21, vm0, $0xb8;
	[tilespmem:$0x18400] =	vst v63  }
0x4d: {  	s2 =	simm.s32 $0x7C00  }
0x4e: {  	[tilespmem:s2], [sflag:$0x1] =	stream.indirect_vreg.gather [hbm4b:s7+s3], $0x80, v21, vm0, $0xb8;
	[tilespmem:$0x18400] =	vst v63  }
0x4f: {  	v21 =	vld [tilespmem:$0x80];
	_ =	sdelay $0x4  }
0x50: {  	v22 =	vshll.u32 v21, $0x3  }
0x51: {  	v21 =	vand.u32 $0x7, v21;
	v22 =	vand.u32 $0xFFFFFFC0, v22  }
0x52: {  	v21 =	vor.u32 v21, v22  }
0x53: {  	v22 =	vperm.xlane v21, v13;
	_ =	sdelay $0x1  }
0x54: {  	v22 =	vadd.s32 v15, v22;
	_ =	sdelay $0x3  }
0x55: {  	s0 =	simm.s32 $0x8400  }
0x56: {  	[tilespmem:s0], [sflag:$0x2] =	stream.indirect_vreg.gather [hbm4b:s1+s3], $0x80, v22, vm0, $0xb8;
	[tilespmem:$0x18400] =	vst v63  }
0x57: {  	s2 =	simm.s32 $0x8C00;
	v21 =	vperm.xlane v21, v14  }
0x58: {  	[tilespmem:s2], [sflag:$0x2] =	stream.indirect_vreg.gather [hbm4b:s5+s3], $0x80, v22, vm0, $0xb8;
	[tilespmem:$0x18400] =	vst v63  }
0x59: {  	s4 =	simm.s32 $0x9400;
	v21 =	vadd.s32 v15, v21  }
0x5a: {  	[tilespmem:s4], [sflag:$0x2] =	stream.indirect_vreg.gather [hbm4b:s6+s3], $0x80, v22, vm0, $0xb8;
	[tilespmem:$0x18400] =	vst v63  }
0x5b: {  	s24 =	simm.s32 $0x9C00  }
0x5c: {  	[tilespmem:s24], [sflag:$0x2] =	stream.indirect_vreg.gather [hbm4b:s7+s3], $0x80, v22, vm0, $0xb8;
	[tilespmem:$0x18400] =	vst v63  }
0x5d: {  	s4 =	simm.s32 $0xA400  }
0x5e: {  	[tilespmem:s4], [sflag:$0x2] =	stream.indirect_vreg.gather [hbm4b:s1+s3], $0x80, v21, vm0, $0xb8;
	[tilespmem:$0x18400] =	vst v63  }
0x5f: {  	s24 =	simm.s32 $0xAC00  }
0x60: {  	[tilespmem:s24], [sflag:$0x2] =	stream.indirect_vreg.gather [hbm4b:s5+s3], $0x80, v21, vm0, $0xb8;
	[tilespmem:$0x18400] =	vst v63  }
0x61: {  	s4 =	simm.s32 $0xB400  }
0x62: {  	[tilespmem:s4], [sflag:$0x2] =	stream.indirect_vreg.gather [hbm4b:s6+s3], $0x80, v21, vm0, $0xb8;
	[tilespmem:$0x18400] =	vst v63  }
0x63: {  	s24 =	simm.s32 $0xBC00  }
0x64: {  	[tilespmem:s24], [sflag:$0x2] =	stream.indirect_vreg.gather [hbm4b:s7+s3], $0x80, v21, vm0, $0xb8;
	[tilespmem:$0x18400] =	vst v63  }
0x65: {  	v21 =	vld [tilespmem:$0x90];
	_ =	sdelay $0x4  }
0x66: {  	v22 =	vshll.u32 v21, $0x3  }
0x67: {  	v21 =	vand.u32 $0x7, v21;
	v22 =	vand.u32 $0xFFFFFFC0, v22  }
0x68: {  	v21 =	vor.u32 v21, v22  }
0x69: {  	v22 =	vperm.xlane v21, v13;
	_ =	sdelay $0x1  }
0x6a: {  	v22 =	vadd.s32 v15, v22;
	_ =	sdelay $0x3  }
0x6b: {  	s4 =	simm.s32 $0xC400  }
0x6c: {  	[tilespmem:s4], [sflag:$0x2] =	stream.indirect_vreg.gather [hbm4b:s1+s3], $0x80, v22, vm0, $0xb8;
	[tilespmem:$0x18400] =	vst v63  }
0x6d: {  	s24 =	simm.s32 $0xCC00;
	v21 =	vperm.xlane v21, v14  }
0x6e: {  	[tilespmem:s24], [sflag:$0x2] =	stream.indirect_vreg.gather [hbm4b:s5+s3], $0x80, v22, vm0, $0xb8;
	[tilespmem:$0x18400] =	vst v63  }
0x6f: {  	v21 =	vadd.s32 v15, v21;
	s4 =	simm.s32 $0xD400  }
0x70: {  	[tilespmem:s4], [sflag:$0x2] =	stream.indirect_vreg.gather [hbm4b:s6+s3], $0x80, v22, vm0, $0xb8;
	[tilespmem:$0x18400] =	vst v63  }
0x71: {  	s24 =	simm.s32 $0xDC00  }
0x72: {  	[tilespmem:s24], [sflag:$0x2] =	stream.indirect_vreg.gather [hbm4b:s7+s3], $0x80, v22, vm0, $0xb8;
	[tilespmem:$0x18400] =	vst v63  }
0x73: {  	s4 =	simm.s32 $0xE400  }
0x74: {  	[tilespmem:s4], [sflag:$0x2] =	stream.indirect_vreg.gather [hbm4b:s1+s3], $0x80, v21, vm0, $0xb8;
	[tilespmem:$0x18400] =	vst v63  }
0x75: {  	s24 =	simm.s32 $0xEC00  }
0x76: {  	[tilespmem:s24], [sflag:$0x2] =	stream.indirect_vreg.gather [hbm4b:s5+s3], $0x80, v21, vm0, $0xb8;
	[tilespmem:$0x18400] =	vst v63  }
0x77: {  	s4 =	simm.s32 $0xF400  }
0x78: {  	[tilespmem:s4], [sflag:$0x2] =	stream.indirect_vreg.gather [hbm4b:s6+s3], $0x80, v21, vm0, $0xb8;
	[tilespmem:$0x18400] =	vst v63  }
0x79: {  	s24 =	simm.s32 $0xFC00  }
0x7a: {  	[tilespmem:s24], [sflag:$0x2] =	stream.indirect_vreg.gather [hbm4b:s7+s3], $0x80, v21, vm0, $0xb8;
	[tilespmem:$0x18400] =	vst v63  }
0x7b: {  	_ =	swait.ge [sflag:s17], $0x8000  }
0x7c: {  	[sflag:s17] =	ssyncset.done $0x0  }
0x7d: {  	s24 =	rddreg [dreg:$0xa];
	[sflag:s17] =	ssyncadd.s32 $0xFFFF8000  }
0x7e: {  	[hbm4b:s24+s3] =	stream.linear.scatter [tilespmem:s25], [sflag:$0x4], $0x8000, $0x38;
	[tilespmem:$0x18400] =	vst v63  }
0x7f: {  	v21 =	vld [tilespmem:$0x100];
	_ =	sdelay $0x4  }
0x80: {  	v22 =	vshll.u32 v21, $0x3  }
0x81: {  	v21 =	vand.u32 $0x7, v21;
	v22 =	vand.u32 $0xFFFFFFC0, v22  }
0x82: {  	v21 =	vor.u32 v21, v22  }
0x83: {  	v22 =	vperm.xlane v21, v13;
	_ =	sdelay $0x1  }
0x84: {  	v22 =	vadd.s32 v15, v22;
	_ =	sdelay $0x3  }
0x85: {  	s2 =	simm.s32 $0x10400  }
0x86: {  	[tilespmem:s2], [sflag:$0x3] =	stream.indirect_vreg.gather [hbm4b:s1+s3], $0x80, v22, vm0, $0xb8;
	[tilespmem:$0x18400] =	vst v63  }
0x87: {  	s4 =	simm.s32 $0x10C00;
	v21 =	vperm.xlane v21, v14  }
0x88: {  	[tilespmem:s4], [sflag:$0x3] =	stream.indirect_vreg.gather [hbm4b:s5+s3], $0x80, v22, vm0, $0xb8;
	[tilespmem:$0x18400] =	vst v63  }
0x89: {  	v21 =	vadd.s32 v15, v21  }
0x8a: {  	[tilespmem:s9], [sflag:$0x3] =	stream.indirect_vreg.gather [hbm4b:s6+s3], $0x80, v22, vm0, $0xb8;
	[tilespmem:$0x18400] =	vst v63  }
0x8b: {  	_ = 	snop  }
0x8c: {  	[tilespmem:s10], [sflag:$0x3] =	stream.indirect_vreg.gather [hbm4b:s7+s3], $0x80, v22, vm0, $0xb8;
	[tilespmem:$0x18400] =	vst v63  }
0x8d: {  	_ = 	snop  }
0x8e: {  	[tilespmem:s11], [sflag:$0x3] =	stream.indirect_vreg.gather [hbm4b:s1+s3], $0x80, v21, vm0, $0xb8;
	[tilespmem:$0x18400] =	vst v63  }
0x8f: {  	_ = 	snop  }
0x90: {  	[tilespmem:s12], [sflag:$0x3] =	stream.indirect_vreg.gather [hbm4b:s5+s3], $0x80, v21, vm0, $0xb8;
	[tilespmem:$0x18400] =	vst v63  }
0x91: {  	_ = 	snop  }
0x92: {  	[tilespmem:s13], [sflag:$0x3] =	stream.indirect_vreg.gather [hbm4b:s6+s3], $0x80, v21, vm0, $0xb8;
	[tilespmem:$0x18400] =	vst v63  }
0x93: {  	_ = 	snop  }
0x94: {  	[tilespmem:s14], [sflag:$0x3] =	stream.indirect_vreg.gather [hbm4b:s7+s3], $0x80, v21, vm0, $0xb8;
	[tilespmem:$0x18400] =	vst v63  }
0x95: {  	v21 =	vld [tilespmem:$0x110];
	_ =	sdelay $0x4  }
0x96: {  	v22 =	vshll.u32 v21, $0x3  }
0x97: {  	v21 =	vand.u32 $0x7, v21;
	v22 =	vand.u32 $0xFFFFFFC0, v22  }
0x98: {  	v21 =	vor.u32 v21, v22  }
0x99: {  	v22 =	vperm.xlane v21, v13;
	_ =	sdelay $0x1  }
0x9a: {  	v22 =	vadd.s32 v15, v22;
	_ =	sdelay $0x4  }
0x9b: {  	[tilespmem:s15], [sflag:$0x3] =	stream.indirect_vreg.gather [hbm4b:s1+s3], $0x80, v22, vm0, $0xb8;
	[tilespmem:$0x18400] =	vst v63  }
0x9c: {  	v21 =	vperm.xlane v21, v14  }
0x9d: {  	[tilespmem:s16], [sflag:$0x3] =	stream.indirect_vreg.gather [hbm4b:s5+s3], $0x80, v22, vm0, $0xb8;
	[tilespmem:$0x18400] =	vst v63  }
0x9e: {  	v21 =	vadd.s32 v15, v21  }
0x9f: {  	[tilespmem:s18], [sflag:$0x3] =	stream.indirect_vreg.gather [hbm4b:s6+s3], $0x80, v22, vm0, $0xb8;
	[tilespmem:$0x18400] =	vst v63  }
0xa0: {  	_ = 	snop  }
0xa1: {  	[tilespmem:s21], [sflag:$0x3] =	stream.indirect_vreg.gather [hbm4b:s7+s3], $0x80, v22, vm0, $0xb8;
	[tilespmem:$0x18400] =	vst v63  }
0xa2: {  	_ = 	snop  }
0xa3: {  	[tilespmem:s28], [sflag:$0x3] =	stream.indirect_vreg.gather [hbm4b:s1+s3], $0x80, v21, vm0, $0xb8;
	[tilespmem:$0x18400] =	vst v63  }
0xa4: {  	_ = 	snop  }
0xa5: {  	[tilespmem:s29], [sflag:$0x3] =	stream.indirect_vreg.gather [hbm4b:s5+s3], $0x80, v21, vm0, $0xb8;
	[tilespmem:$0x18400] =	vst v63  }
0xa6: {  	_ = 	snop  }
0xa7: {  	[tilespmem:s30], [sflag:$0x3] =	stream.indirect_vreg.gather [hbm4b:s6+s3], $0x80, v21, vm0, $0xb8;
	[tilespmem:$0x18400] =	vst v63  }
0xa8: {  	_ = 	snop  }
0xa9: {  	[tilespmem:s31], [sflag:$0x3] =	stream.indirect_vreg.gather [hbm4b:s7+s3], $0x80, v21, vm0, $0xb8;
	[tilespmem:$0x18400] =	vst v63  }
0xaa: {  	_ =	swait.ge [sflag:s19], $0x8000  }
0xab: {  	[sflag:s19] =	ssyncset.done $0x0  }
0xac: {  	s24 =	rddreg [dreg:$0x3];
	[sflag:s19] =	ssyncadd.s32 $0xFFFF8000  }
0xad: {  	[hbm4b:s24+s3] =	stream.linear.scatter [tilespmem:s0], [sflag:$0x5], $0x8000, $0x38;
	[tilespmem:$0x18400] =	vst v63  }
0xae: {  	_ =	swait.ge [sflag:s20], $0x8000  }
0xaf: {  	[sflag:s20] =	ssyncset.done $0x0  }
0xb0: {  	[sflag:s20] =	ssyncadd.s32 $0xFFFF8000  }
0xb1: {  	v21 =	vld [tilespmem:$0x180];
	_ =	sdelay $0x4  }
0xb2: {  	v22 =	vshll.u32 v21, $0x3  }
0xb3: {  	v21 =	vand.u32 $0x7, v21;
	v22 =	vand.u32 $0xFFFFFFC0, v22  }
0xb4: {  	v21 =	vor.u32 v21, v22  }
0xb5: {  	v22 =	vperm.xlane v21, v13;
	_ =	sdelay $0x1  }
0xb6: {  	v22 =	vadd.s32 v15, v22;
	_ =	sdelay $0x4  }
0xb7: {  	[tilespmem:s25], [sflag:$0x1] =	stream.indirect_vreg.gather [hbm4b:s1+s3], $0x80, v22, vm0, $0xb8;
	[tilespmem:$0x18400] =	vst v63  }
0xb8: {  	s24 =	simm.s32 $0xC00;
	v21 =	vperm.xlane v21, v14  }
0xb9: {  	[tilespmem:s24], [sflag:$0x1] =	stream.indirect_vreg.gather [hbm4b:s5+s3], $0x80, v22, vm0, $0xb8;
	[tilespmem:$0x18400] =	vst v63  }
0xba: {  	v21 =	vadd.s32 v15, v21;
	s24 =	simm.s32 $0x1400  }
0xbb: {  	[tilespmem:s24], [sflag:$0x1] =	stream.indirect_vreg.gather [hbm4b:s6+s3], $0x80, v22, vm0, $0xb8;
	[tilespmem:$0x18400] =	vst v63  }
0xbc: {  	s24 =	simm.s32 $0x1C00  }
0xbd: {  	[tilespmem:s24], [sflag:$0x1] =	stream.indirect_vreg.gather [hbm4b:s7+s3], $0x80, v22, vm0, $0xb8;
	[tilespmem:$0x18400] =	vst v63  }
0xbe: {  	s24 =	simm.s32 $0x2400  }
0xbf: {  	[tilespmem:s24], [sflag:$0x1] =	stream.indirect_vreg.gather [hbm4b:s1+s3], $0x80, v21, vm0, $0xb8;
	[tilespmem:$0x18400] =	vst v63  }
0xc0: {  	s24 =	simm.s32 $0x2C00  }
0xc1: {  	[tilespmem:s24], [sflag:$0x1] =	stream.indirect_vreg.gather [hbm4b:s5+s3], $0x80, v21, vm0, $0xb8;
	[tilespmem:$0x18400] =	vst v63  }
0xc2: {  	s24 =	simm.s32 $0x3400  }
0xc3: {  	[tilespmem:s24], [sflag:$0x1] =	stream.indirect_vreg.gather [hbm4b:s6+s3], $0x80, v21, vm0, $0xb8;
	[tilespmem:$0x18400] =	vst v63  }
0xc4: {  	s24 =	simm.s32 $0x3C00  }
0xc5: {  	[tilespmem:s24], [sflag:$0x1] =	stream.indirect_vreg.gather [hbm4b:s7+s3], $0x80, v21, vm0, $0xb8;
	[tilespmem:$0x18400] =	vst v63  }
0xc6: {  	v21 =	vld [tilespmem:$0x190];
	_ =	sdelay $0x4  }
0xc7: {  	v22 =	vshll.u32 v21, $0x3  }
0xc8: {  	v21 =	vand.u32 $0x7, v21;
	v22 =	vand.u32 $0xFFFFFFC0, v22  }
0xc9: {  	v21 =	vor.u32 v21, v22  }
0xca: {  	v22 =	vperm.xlane v21, v13;
	_ =	sdelay $0x1  }
0xcb: {  	v22 =	vadd.s32 v15, v22;
	_ =	sdelay $0x3  }
0xcc: {  	s24 =	simm.s32 $0x4400  }
0xcd: {  	[tilespmem:s24], [sflag:$0x1] =	stream.indirect_vreg.gather [hbm4b:s1+s3], $0x80, v22, vm0, $0xb8;
	[tilespmem:$0x18400] =	vst v63  }
0xce: {  	v21 =	vperm.xlane v21, v14;
	s24 =	simm.s32 $0x4C00  }
0xcf: {  	[tilespmem:s24], [sflag:$0x1] =	stream.indirect_vreg.gather [hbm4b:s5+s3], $0x80, v22, vm0, $0xb8;
	[tilespmem:$0x18400] =	vst v63  }
0xd0: {  	v21 =	vadd.s32 v15, v21;
	s24 =	simm.s32 $0x5400  }
0xd1: {  	[tilespmem:s24], [sflag:$0x1] =	stream.indirect_vreg.gather [hbm4b:s6+s3], $0x80, v22, vm0, $0xb8;
	[tilespmem:$0x18400] =	vst v63  }
0xd2: {  	s24 =	simm.s32 $0x5C00  }
0xd3: {  	[tilespmem:s24], [sflag:$0x1] =	stream.indirect_vreg.gather [hbm4b:s7+s3], $0x80, v22, vm0, $0xb8;
	[tilespmem:$0x18400] =	vst v63  }
0xd4: {  	s24 =	simm.s32 $0x6400  }
0xd5: {  	[tilespmem:s24], [sflag:$0x1] =	stream.indirect_vreg.gather [hbm4b:s1+s3], $0x80, v21, vm0, $0xb8;
	[tilespmem:$0x18400] =	vst v63  }
0xd6: {  	s24 =	simm.s32 $0x6C00  }
0xd7: {  	[tilespmem:s24], [sflag:$0x1] =	stream.indirect_vreg.gather [hbm4b:s5+s3], $0x80, v21, vm0, $0xb8;
	[tilespmem:$0x18400] =	vst v63  }
0xd8: {  	s24 =	simm.s32 $0x7400  }
0xd9: {  	[tilespmem:s24], [sflag:$0x1] =	stream.indirect_vreg.gather [hbm4b:s6+s3], $0x80, v21, vm0, $0xb8;
	[tilespmem:$0x18400] =	vst v63  }
0xda: {  	s24 =	simm.s32 $0x7C00  }
0xdb: {  	[tilespmem:s24], [sflag:$0x1] =	stream.indirect_vreg.gather [hbm4b:s7+s3], $0x80, v21, vm0, $0xb8;
	[tilespmem:$0x18400] =	vst v63  }
0xdc: {  	_ =	swait.ge [sflag:s26], $0x8000  }
0xdd: {  	[sflag:s26] =	ssyncset.done $0x0  }
0xde: {  	s24 =	rddreg [dreg:$0x4];
	[sflag:s26] =	ssyncadd.s32 $0xFFFF8000  }
0xdf: {  	[hbm4b:s24+s3] =	stream.linear.scatter [tilespmem:s2], [sflag:$0x6], $0x8000, $0x38;
	[tilespmem:$0x18400] =	vst v63  }
0xe0: {  	_ =	swait.ge [sflag:s22], $0x8000  }
0xe1: {  	[sflag:s22] =	ssyncset.done $0x0  }
0xe2: {  	[sflag:s22] =	ssyncadd.s32 $0xFFFF8000  }
0xe3: {  	v21 =	vld [tilespmem:$0x200];
	_ =	sdelay $0x4  }
0xe4: {  	v22 =	vshll.u32 v21, $0x3  }
0xe5: {  	v21 =	vand.u32 $0x7, v21;
	v22 =	vand.u32 $0xFFFFFFC0, v22  }
0xe6: {  	v21 =	vor.u32 v21, v22  }
0xe7: {  	v22 =	vperm.xlane v21, v13;
	_ =	sdelay $0x1  }
0xe8: {  	v22 =	vadd.s32 v15, v22;
	_ =	sdelay $0x4  }
0xe9: {  	[tilespmem:s0], [sflag:$0x2] =	stream.indirect_vreg.gather [hbm4b:s1+s3], $0x80, v22, vm0, $0xb8;
	[tilespmem:$0x18400] =	vst v63  }
0xea: {  	s24 =	simm.s32 $0x8C00;
	v21 =	vperm.xlane v21, v14  }
0xeb: {  	[tilespmem:s24], [sflag:$0x2] =	stream.indirect_vreg.gather [hbm4b:s5+s3], $0x80, v22, vm0, $0xb8;
	[tilespmem:$0x18400] =	vst v63  }
0xec: {  	v21 =	vadd.s32 v15, v21;
	s24 =	simm.s32 $0x9400  }
0xed: {  	[tilespmem:s24], [sflag:$0x2] =	stream.indirect_vreg.gather [hbm4b:s6+s3], $0x80, v22, vm0, $0xb8;
	[tilespmem:$0x18400] =	vst v63  }
0xee: {  	s24 =	simm.s32 $0x9C00  }
0xef: {  	[tilespmem:s24], [sflag:$0x2] =	stream.indirect_vreg.gather [hbm4b:s7+s3], $0x80, v22, vm0, $0xb8;
	[tilespmem:$0x18400] =	vst v63  }
0xf0: {  	s24 =	simm.s32 $0xA400  }
0xf1: {  	[tilespmem:s24], [sflag:$0x2] =	stream.indirect_vreg.gather [hbm4b:s1+s3], $0x80, v21, vm0, $0xb8;
	[tilespmem:$0x18400] =	vst v63  }
0xf2: {  	s24 =	simm.s32 $0xAC00  }
0xf3: {  	[tilespmem:s24], [sflag:$0x2] =	stream.indirect_vreg.gather [hbm4b:s5+s3], $0x80, v21, vm0, $0xb8;
	[tilespmem:$0x18400] =	vst v63  }
0xf4: {  	s24 =	simm.s32 $0xB400  }
0xf5: {  	[tilespmem:s24], [sflag:$0x2] =	stream.indirect_vreg.gather [hbm4b:s6+s3], $0x80, v21, vm0, $0xb8;
	[tilespmem:$0x18400] =	vst v63  }
0xf6: {  	s24 =	simm.s32 $0xBC00  }
0xf7: {  	[tilespmem:s24], [sflag:$0x2] =	stream.indirect_vreg.gather [hbm4b:s7+s3], $0x80, v21, vm0, $0xb8;
	[tilespmem:$0x18400] =	vst v63  }
0xf8: {  	v21 =	vld [tilespmem:$0x210];
	_ =	sdelay $0x4  }
0xf9: {  	v22 =	vshll.u32 v21, $0x3  }
0xfa: {  	v21 =	vand.u32 $0x7, v21;
	v22 =	vand.u32 $0xFFFFFFC0, v22  }
0xfb: {  	v21 =	vor.u32 v21, v22  }
0xfc: {  	v22 =	vperm.xlane v21, v13;
	_ =	sdelay $0x1  }
0xfd: {  	v22 =	vadd.s32 v15, v22;
	_ =	sdelay $0x3  }
0xfe: {  	s24 =	simm.s32 $0xC400  }
0xff: {  	[tilespmem:s24], [sflag:$0x2] =	stream.indirect_vreg.gather [hbm4b:s1+s3], $0x80, v22, vm0, $0xb8;
	[tilespmem:$0x18400] =	vst v63  }
0x100: {  	v21 =	vperm.xlane v21, v14;
	s24 =	simm.s32 $0xCC00  }
0x101: {  	[tilespmem:s24], [sflag:$0x2] =	stream.indirect_vreg.gather [hbm4b:s5+s3], $0x80, v22, vm0, $0xb8;
	[tilespmem:$0x18400] =	vst v63  }
0x102: {  	v21 =	vadd.s32 v15, v21;
	s24 =	simm.s32 $0xD400  }
0x103: {  	[tilespmem:s24], [sflag:$0x2] =	stream.indirect_vreg.gather [hbm4b:s6+s3], $0x80, v22, vm0, $0xb8;
	[tilespmem:$0x18400] =	vst v63  }
0x104: {  	s24 =	simm.s32 $0xDC00  }
0x105: {  	[tilespmem:s24], [sflag:$0x2] =	stream.indirect_vreg.gather [hbm4b:s7+s3], $0x80, v22, vm0, $0xb8;
	[tilespmem:$0x18400] =	vst v63  }
0x106: {  	s24 =	simm.s32 $0xE400  }
0x107: {  	[tilespmem:s24], [sflag:$0x2] =	stream.indirect_vreg.gather [hbm4b:s1+s3], $0x80, v21, vm0, $0xb8;
	[tilespmem:$0x18400] =	vst v63  }
0x108: {  	s24 =	simm.s32 $0xEC00  }
0x109: {  	[tilespmem:s24], [sflag:$0x2] =	stream.indirect_vreg.gather [hbm4b:s5+s3], $0x80, v21, vm0, $0xb8;
	[tilespmem:$0x18400] =	vst v63  }
0x10a: {  	s24 =	simm.s32 $0xF400  }
0x10b: {  	[tilespmem:s24], [sflag:$0x2] =	stream.indirect_vreg.gather [hbm4b:s6+s3], $0x80, v21, vm0, $0xb8;
	[tilespmem:$0x18400] =	vst v63  }
0x10c: {  	s24 =	simm.s32 $0xFC00  }
0x10d: {  	[tilespmem:s24], [sflag:$0x2] =	stream.indirect_vreg.gather [hbm4b:s7+s3], $0x80, v21, vm0, $0xb8;
	[tilespmem:$0x18400] =	vst v63  }
0x10e: {  	_ =	swait.ge [sflag:s17], $0x8000  }
0x10f: {  	[sflag:s17] =	ssyncset.done $0x0  }
0x110: {  	s24 =	rddreg [dreg:$0x5];
	[sflag:s17] =	ssyncadd.s32 $0xFFFF8000  }
0x111: {  	[hbm4b:s24+s3] =	stream.linear.scatter [tilespmem:s25], [sflag:$0x4], $0x8000, $0x38;
	[tilespmem:$0x18400] =	vst v63  }
0x112: {  	_ =	swait.ge [sflag:s23], $0x8000  }
0x113: {  	[sflag:s23] =	ssyncset.done $0x0  }
0x114: {  	[sflag:s23] =	ssyncadd.s32 $0xFFFF8000  }
0x115: {  	v21 =	vld [tilespmem:$0x280];
	_ =	sdelay $0x4  }
0x116: {  	v22 =	vshll.u32 v21, $0x3  }
0x117: {  	v21 =	vand.u32 $0x7, v21;
	v22 =	vand.u32 $0xFFFFFFC0, v22  }
0x118: {  	v21 =	vor.u32 v21, v22  }
0x119: {  	v22 =	vperm.xlane v21, v13;
	_ =	sdelay $0x1  }
0x11a: {  	v22 =	vadd.s32 v15, v22;
	_ =	sdelay $0x4  }
0x11b: {  	[tilespmem:s2], [sflag:$0x3] =	stream.indirect_vreg.gather [hbm4b:s1+s3], $0x80, v22, vm0, $0xb8;
	[tilespmem:$0x18400] =	vst v63  }
0x11c: {  	v21 =	vperm.xlane v21, v14  }
0x11d: {  	[tilespmem:s4], [sflag:$0x3] =	stream.indirect_vreg.gather [hbm4b:s5+s3], $0x80, v22, vm0, $0xb8;
	[tilespmem:$0x18400] =	vst v63  }
0x11e: {  	v21 =	vadd.s32 v15, v21  }
0x11f: {  	[tilespmem:s9], [sflag:$0x3] =	stream.indirect_vreg.gather [hbm4b:s6+s3], $0x80, v22, vm0, $0xb8;
	[tilespmem:$0x18400] =	vst v63  }
0x120: {  	_ = 	snop  }
0x121: {  	[tilespmem:s10], [sflag:$0x3] =	stream.indirect_vreg.gather [hbm4b:s7+s3], $0x80, v22, vm0, $0xb8;
	[tilespmem:$0x18400] =	vst v63  }
0x122: {  	_ = 	snop  }
0x123: {  	[tilespmem:s11], [sflag:$0x3] =	stream.indirect_vreg.gather [hbm4b:s1+s3], $0x80, v21, vm0, $0xb8;
	[tilespmem:$0x18400] =	vst v63  }
0x124: {  	_ = 	snop  }
0x125: {  	[tilespmem:s12], [sflag:$0x3] =	stream.indirect_vreg.gather [hbm4b:s5+s3], $0x80, v21, vm0, $0xb8;
	[tilespmem:$0x18400] =	vst v63  }
0x126: {  	_ = 	snop  }
0x127: {  	[tilespmem:s13], [sflag:$0x3] =	stream.indirect_vreg.gather [hbm4b:s6+s3], $0x80, v21, vm0, $0xb8;
	[tilespmem:$0x18400] =	vst v63  }
0x128: {  	_ = 	snop  }
0x129: {  	[tilespmem:s14], [sflag:$0x3] =	stream.indirect_vreg.gather [hbm4b:s7+s3], $0x80, v21, vm0, $0xb8;
	[tilespmem:$0x18400] =	vst v63  }
0x12a: {  	v21 =	vld [tilespmem:$0x290];
	_ =	sdelay $0x4  }
0x12b: {  	v22 =	vshll.u32 v21, $0x3  }
0x12c: {  	v21 =	vand.u32 $0x7, v21;
	v22 =	vand.u32 $0xFFFFFFC0, v22  }
0x12d: {  	v21 =	vor.u32 v21, v22  }
0x12e: {  	v22 =	vperm.xlane v21, v13;
	_ =	sdelay $0x1  }
0x12f: {  	v22 =	vadd.s32 v15, v22;
	_ =	sdelay $0x4  }
0x130: {  	[tilespmem:s15], [sflag:$0x3] =	stream.indirect_vreg.gather [hbm4b:s1+s3], $0x80, v22, vm0, $0xb8;
	[tilespmem:$0x18400] =	vst v63  }
0x131: {  	v21 =	vperm.xlane v21, v14  }
0x132: {  	[tilespmem:s16], [sflag:$0x3] =	stream.indirect_vreg.gather [hbm4b:s5+s3], $0x80, v22, vm0, $0xb8;
	[tilespmem:$0x18400] =	vst v63  }
0x133: {  	v21 =	vadd.s32 v15, v21  }
0x134: {  	[tilespmem:s18], [sflag:$0x3] =	stream.indirect_vreg.gather [hbm4b:s6+s3], $0x80, v22, vm0, $0xb8;
	[tilespmem:$0x18400] =	vst v63  }
0x135: {  	_ = 	snop  }
0x136: {  	[tilespmem:s21], [sflag:$0x3] =	stream.indirect_vreg.gather [hbm4b:s7+s3], $0x80, v22, vm0, $0xb8;
	[tilespmem:$0x18400] =	vst v63  }
0x137: {  	_ = 	snop  }
0x138: {  	[tilespmem:s28], [sflag:$0x3] =	stream.indirect_vreg.gather [hbm4b:s1+s3], $0x80, v21, vm0, $0xb8;
	[tilespmem:$0x18400] =	vst v63  }
0x139: {  	_ = 	snop  }
0x13a: {  	[tilespmem:s29], [sflag:$0x3] =	stream.indirect_vreg.gather [hbm4b:s5+s3], $0x80, v21, vm0, $0xb8;
	[tilespmem:$0x18400] =	vst v63  }
0x13b: {  	_ = 	snop  }
0x13c: {  	[tilespmem:s30], [sflag:$0x3] =	stream.indirect_vreg.gather [hbm4b:s6+s3], $0x80, v21, vm0, $0xb8;
	[tilespmem:$0x18400] =	vst v63  }
0x13d: {  	_ = 	snop  }
0x13e: {  	[tilespmem:s31], [sflag:$0x3] =	stream.indirect_vreg.gather [hbm4b:s7+s3], $0x80, v21, vm0, $0xb8;
	[tilespmem:$0x18400] =	vst v63  }
0x13f: {  	_ =	swait.ge [sflag:s19], $0x8000  }
0x140: {  	[sflag:s19] =	ssyncset.done $0x0  }
0x141: {  	s4 =	rddreg [dreg:$0x6];
	[sflag:s19] =	ssyncadd.s32 $0xFFFF8000  }
0x142: {  	[hbm4b:s4+s3] =	stream.linear.scatter [tilespmem:s0], [sflag:$0x5], $0x8000, $0x38;
	[tilespmem:$0x18400] =	vst v63  }
0x143: {  	_ =	swait.ge [sflag:s20], $0x8000  }
0x144: {  	[sflag:s20] =	ssyncset.done $0x0  }
0x145: {  	[sflag:s20] =	ssyncadd.s32 $0xFFFF8000  }
0x146: {  	v21 =	vld [tilespmem:$0x300];
	_ =	sdelay $0x4  }
0x147: {  	v22 =	vshll.u32 v21, $0x3  }
0x148: {  	v21 =	vand.u32 $0x7, v21;
	v22 =	vand.u32 $0xFFFFFFC0, v22  }
0x149: {  	v21 =	vor.u32 v21, v22  }
0x14a: {  	v22 =	vperm.xlane v21, v13;
	_ =	sdelay $0x1  }
0x14b: {  	v22 =	vadd.s32 v15, v22;
	_ =	sdelay $0x4  }
0x14c: {  	[tilespmem:s25], [sflag:$0x1] =	stream.indirect_vreg.gather [hbm4b:s1+s3], $0x80, v22, vm0, $0xb8;
	[tilespmem:$0x18400] =	vst v63  }
0x14d: {  	s24 =	simm.s32 $0xC00;
	v21 =	vperm.xlane v21, v14  }
0x14e: {  	[tilespmem:s24], [sflag:$0x1] =	stream.indirect_vreg.gather [hbm4b:s5+s3], $0x80, v22, vm0, $0xb8;
	[tilespmem:$0x18400] =	vst v63  }
0x14f: {  	v21 =	vadd.s32 v15, v21;
	s24 =	simm.s32 $0x1400  }
0x150: {  	[tilespmem:s24], [sflag:$0x1] =	stream.indirect_vreg.gather [hbm4b:s6+s3], $0x80, v22, vm0, $0xb8;
	[tilespmem:$0x18400] =	vst v63  }
0x151: {  	s24 =	simm.s32 $0x1C00  }
0x152: {  	[tilespmem:s24], [sflag:$0x1] =	stream.indirect_vreg.gather [hbm4b:s7+s3], $0x80, v22, vm0, $0xb8;
	[tilespmem:$0x18400] =	vst v63  }
0x153: {  	s24 =	simm.s32 $0x2400  }
0x154: {  	[tilespmem:s24], [sflag:$0x1] =	stream.indirect_vreg.gather [hbm4b:s1+s3], $0x80, v21, vm0, $0xb8;
	[tilespmem:$0x18400] =	vst v63  }
0x155: {  	s24 =	simm.s32 $0x2C00  }
0x156: {  	[tilespmem:s24], [sflag:$0x1] =	stream.indirect_vreg.gather [hbm4b:s5+s3], $0x80, v21, vm0, $0xb8;
	[tilespmem:$0x18400] =	vst v63  }
0x157: {  	s24 =	simm.s32 $0x3400  }
0x158: {  	[tilespmem:s24], [sflag:$0x1] =	stream.indirect_vreg.gather [hbm4b:s6+s3], $0x80, v21, vm0, $0xb8;
	[tilespmem:$0x18400] =	vst v63  }
0x159: {  	s24 =	simm.s32 $0x3C00  }
0x15a: {  	[tilespmem:s24], [sflag:$0x1] =	stream.indirect_vreg.gather [hbm4b:s7+s3], $0x80, v21, vm0, $0xb8;
	[tilespmem:$0x18400] =	vst v63  }
0x15b: {  	v21 =	vld [tilespmem:$0x310];
	_ =	sdelay $0x4  }
0x15c: {  	v22 =	vshll.u32 v21, $0x3  }
0x15d: {  	v21 =	vand.u32 $0x7, v21;
	v22 =	vand.u32 $0xFFFFFFC0, v22  }
0x15e: {  	v21 =	vor.u32 v21, v22  }
0x15f: {  	v22 =	vperm.xlane v21, v13;
	_ =	sdelay $0x1  }
0x160: {  	v22 =	vadd.s32 v15, v22;
	_ =	sdelay $0x3  }
0x161: {  	s24 =	simm.s32 $0x4400  }
0x162: {  	[tilespmem:s24], [sflag:$0x1] =	stream.indirect_vreg.gather [hbm4b:s1+s3], $0x80, v22, vm0, $0xb8;
	[tilespmem:$0x18400] =	vst v63  }
0x163: {  	v21 =	vperm.xlane v21, v14;
	s24 =	simm.s32 $0x4C00  }
0x164: {  	[tilespmem:s24], [sflag:$0x1] =	stream.indirect_vreg.gather [hbm4b:s5+s3], $0x80, v22, vm0, $0xb8;
	[tilespmem:$0x18400] =	vst v63  }
0x165: {  	v21 =	vadd.s32 v15, v21;
	s24 =	simm.s32 $0x5400  }
0x166: {  	[tilespmem:s24], [sflag:$0x1] =	stream.indirect_vreg.gather [hbm4b:s6+s3], $0x80, v22, vm0, $0xb8;
	[tilespmem:$0x18400] =	vst v63  }
0x167: {  	s24 =	simm.s32 $0x5C00  }
0x168: {  	[tilespmem:s24], [sflag:$0x1] =	stream.indirect_vreg.gather [hbm4b:s7+s3], $0x80, v22, vm0, $0xb8;
	[tilespmem:$0x18400] =	vst v63  }
0x169: {  	s24 =	simm.s32 $0x6400  }
0x16a: {  	[tilespmem:s24], [sflag:$0x1] =	stream.indirect_vreg.gather [hbm4b:s1+s3], $0x80, v21, vm0, $0xb8;
	[tilespmem:$0x18400] =	vst v63  }
0x16b: {  	s24 =	simm.s32 $0x6C00  }
0x16c: {  	[tilespmem:s24], [sflag:$0x1] =	stream.indirect_vreg.gather [hbm4b:s5+s3], $0x80, v21, vm0, $0xb8;
	[tilespmem:$0x18400] =	vst v63  }
0x16d: {  	s24 =	simm.s32 $0x7400  }
0x16e: {  	[tilespmem:s24], [sflag:$0x1] =	stream.indirect_vreg.gather [hbm4b:s6+s3], $0x80, v21, vm0, $0xb8;
	[tilespmem:$0x18400] =	vst v63  }
0x16f: {  	s24 =	simm.s32 $0x7C00  }
0x170: {  	[tilespmem:s24], [sflag:$0x1] =	stream.indirect_vreg.gather [hbm4b:s7+s3], $0x80, v21, vm0, $0xb8;
	[tilespmem:$0x18400] =	vst v63  }
0x171: {  	_ =	swait.ge [sflag:s26], $0x8000  }
0x172: {  	[sflag:s26] =	ssyncset.done $0x0  }
0x173: {  	s4 =	rddreg [dreg:$0x7];
	[sflag:s26] =	ssyncadd.s32 $0xFFFF8000  }
0x174: {  	[hbm4b:s4+s3] =	stream.linear.scatter [tilespmem:s2], [sflag:$0x6], $0x8000, $0x38;
	[tilespmem:$0x18400] =	vst v63  }
0x175: {  	_ =	swait.ge [sflag:s22], $0x8000  }
0x176: {  	[sflag:s22] =	ssyncset.done $0x0  }
0x177: {  	[sflag:s22] =	ssyncadd.s32 $0xFFFF8000  }
0x178: {  	v21 =	vld [tilespmem:$0x380];
	_ =	sdelay $0x4  }
0x179: {  	v22 =	vshll.u32 v21, $0x3  }
0x17a: {  	v21 =	vand.u32 $0x7, v21;
	v22 =	vand.u32 $0xFFFFFFC0, v22  }
0x17b: {  	v21 =	vor.u32 v21, v22  }
0x17c: {  	v22 =	vperm.xlane v21, v13;
	_ =	sdelay $0x1  }
0x17d: {  	v22 =	vadd.s32 v15, v22;
	_ =	sdelay $0x4  }
0x17e: {  	[tilespmem:s0], [sflag:$0x2] =	stream.indirect_vreg.gather [hbm4b:s1+s3], $0x80, v22, vm0, $0xb8;
	[tilespmem:$0x18400] =	vst v63  }
0x17f: {  	s24 =	simm.s32 $0x8C00;
	v21 =	vperm.xlane v21, v14  }
0x180: {  	[tilespmem:s24], [sflag:$0x2] =	stream.indirect_vreg.gather [hbm4b:s5+s3], $0x80, v22, vm0, $0xb8;
	[tilespmem:$0x18400] =	vst v63  }
0x181: {  	s4 =	simm.s32 $0x9400;
	v21 =	vadd.s32 v15, v21  }
0x182: {  	[tilespmem:s4], [sflag:$0x2] =	stream.indirect_vreg.gather [hbm4b:s6+s3], $0x80, v22, vm0, $0xb8;
	[tilespmem:$0x18400] =	vst v63  }
0x183: {  	s24 =	simm.s32 $0x9C00  }
0x184: {  	[tilespmem:s24], [sflag:$0x2] =	stream.indirect_vreg.gather [hbm4b:s7+s3], $0x80, v22, vm0, $0xb8;
	[tilespmem:$0x18400] =	vst v63  }
0x185: {  	s4 =	simm.s32 $0xA400  }
0x186: {  	[tilespmem:s4], [sflag:$0x2] =	stream.indirect_vreg.gather [hbm4b:s1+s3], $0x80, v21, vm0, $0xb8;
	[tilespmem:$0x18400] =	vst v63  }
0x187: {  	s24 =	simm.s32 $0xAC00  }
0x188: {  	[tilespmem:s24], [sflag:$0x2] =	stream.indirect_vreg.gather [hbm4b:s5+s3], $0x80, v21, vm0, $0xb8;
	[tilespmem:$0x18400] =	vst v63  }
0x189: {  	s4 =	simm.s32 $0xB400  }
0x18a: {  	[tilespmem:s4], [sflag:$0x2] =	stream.indirect_vreg.gather [hbm4b:s6+s3], $0x80, v21, vm0, $0xb8;
	[tilespmem:$0x18400] =	vst v63  }
0x18b: {  	s24 =	simm.s32 $0xBC00  }
0x18c: {  	[tilespmem:s24], [sflag:$0x2] =	stream.indirect_vreg.gather [hbm4b:s7+s3], $0x80, v21, vm0, $0xb8;
	[tilespmem:$0x18400] =	vst v63  }
0x18d: {  	v21 =	vld [tilespmem:$0x390];
	_ =	sdelay $0x4  }
0x18e: {  	v22 =	vshll.u32 v21, $0x3  }
0x18f: {  	v21 =	vand.u32 $0x7, v21;
	v22 =	vand.u32 $0xFFFFFFC0, v22  }
0x190: {  	v21 =	vor.u32 v21, v22  }
0x191: {  	v22 =	vperm.xlane v21, v13;
	_ =	sdelay $0x1  }
0x192: {  	v22 =	vadd.s32 v15, v22;
	_ =	sdelay $0x3  }
0x193: {  	s4 =	simm.s32 $0xC400  }
0x194: {  	[tilespmem:s4], [sflag:$0x2] =	stream.indirect_vreg.gather [hbm4b:s1+s3], $0x80, v22, vm0, $0xb8;
	[tilespmem:$0x18400] =	vst v63  }
0x195: {  	s24 =	simm.s32 $0xCC00;
	v21 =	vperm.xlane v21, v14  }
0x196: {  	[tilespmem:s24], [sflag:$0x2] =	stream.indirect_vreg.gather [hbm4b:s5+s3], $0x80, v22, vm0, $0xb8;
	[tilespmem:$0x18400] =	vst v63  }
0x197: {  	v21 =	vadd.s32 v15, v21;
	s4 =	simm.s32 $0xD400  }
0x198: {  	[tilespmem:s4], [sflag:$0x2] =	stream.indirect_vreg.gather [hbm4b:s6+s3], $0x80, v22, vm0, $0xb8;
	[tilespmem:$0x18400] =	vst v63  }
0x199: {  	s24 =	simm.s32 $0xDC00  }
0x19a: {  	[tilespmem:s24], [sflag:$0x2] =	stream.indirect_vreg.gather [hbm4b:s7+s3], $0x80, v22, vm0, $0xb8;
	[tilespmem:$0x18400] =	vst v63  }
0x19b: {  	s4 =	simm.s32 $0xE400  }
0x19c: {  	[tilespmem:s4], [sflag:$0x2] =	stream.indirect_vreg.gather [hbm4b:s1+s3], $0x80, v21, vm0, $0xb8;
	[tilespmem:$0x18400] =	vst v63  }
0x19d: {  	s24 =	simm.s32 $0xEC00  }
0x19e: {  	[tilespmem:s24], [sflag:$0x2] =	stream.indirect_vreg.gather [hbm4b:s5+s3], $0x80, v21, vm0, $0xb8;
	[tilespmem:$0x18400] =	vst v63  }
0x19f: {  	s4 =	simm.s32 $0xF400  }
0x1a0: {  	[tilespmem:s4], [sflag:$0x2] =	stream.indirect_vreg.gather [hbm4b:s6+s3], $0x80, v21, vm0, $0xb8;
	[tilespmem:$0x18400] =	vst v63  }
0x1a1: {  	s24 =	simm.s32 $0xFC00  }
0x1a2: {  	[tilespmem:s24], [sflag:$0x2] =	stream.indirect_vreg.gather [hbm4b:s7+s3], $0x80, v21, vm0, $0xb8;
	[tilespmem:$0x18400] =	vst v63  }
0x1a3: {  	_ =	swait.ge [sflag:s17], $0x8000  }
0x1a4: {  	[sflag:s17] =	ssyncset.done $0x0  }
0x1a5: {  	s2 =	rddreg [dreg:$0x8];
	[sflag:s17] =	ssyncadd.s32 $0xFFFF8000  }
0x1a6: {  	[hbm4b:s2+s3] =	stream.linear.scatter [tilespmem:s25], [sflag:$0x4], $0x8000, $0x38;
	[tilespmem:$0x18400] =	vst v63  }
0x1a7: {  	_ =	swait.ge [sflag:s19], $0x8000  }
0x1a8: {  	[sflag:s19] =	ssyncset.done $0x0  }
0x1a9: {  	s4 =	rddreg [dreg:$0x9];
	[sflag:s19] =	ssyncadd.s32 $0xFFFF8000  }
0x1aa: {  	[hbm4b:s4+s3] =	stream.linear.scatter [tilespmem:s0], [sflag:$0x5], $0x8000, $0x38;
	[tilespmem:$0x18400] =	vst v63  }
0x1ab: {  	_ =	swait.ge [sflag:s23], $0x8000  }
0x1ac: {  	[sflag:s23] =	ssyncset.done $0x0  }
0x1ad: {  	[sflag:s23] =	ssyncadd.s32 $0xFFFF8000  }
0x1ae: {  	p0 =	sne.s32 s8, $0x1;
	_ =	swait.ge [sflag:s20], $0x8000  }
.Ltmp0:
0x1af: {  	[sflag:s20] =	ssyncset.done $0x0;
	(pc) =	sbr.rel @p0 .LBB2_1-.Ltmp0, $4  }
0x1b0: {  	[sflag:s20] =	ssyncadd.s32 $0xFFFF8000  }
0x1b1: {  	_ =	swait.ge [sflag:s22], $0x8000  }
0x1b2: {  	[sflag:s22] =	ssyncset.done $0x0  }
0x1b3: {  	s8 =	sadd.s32 $0xFFFFFFFF, s8;
	[sflag:s22] =	ssyncadd.s32 $0xFFFF8000  }
0x1b4: {  	_ =	sfence.sel $0x180000  }
0x1b5: {  	[bflag:$0x0] =	sbarrier.arrive $0xFFFF  }
0x1b6: {  	_ =	strace $0x90000047  }
0x1b7: {  	s0 =	stileid.u32;
	[bflag:$0x2] =	sbarrier.arrive $0xFFFF  }
0x1b8: {  	p0 =	sne.s32 s0, $0x0;
	s0 =	rddreg [dreg:$0x2]  }
0x1b9: {  	s0 =	sadd.s32 @!p0 $0x100000, s0  }
0x1ba: {  	[sflag:s0] =	ssyncadd.tile.s32 @!p0 $0x1;
	_ =	shalt  }
.Lfunc_end2:
_tile_overlayer_lowered:
.L_overlay_start_2:
0x1bb: {  	(tag) =	ssettag $0x2  }
0x1bc: {  	s0 =	rddreg [dreg:$0x0];
	s2 =	stileid.u32  }
0x1bd: {  	s1 =	rddreg [dreg:$0x1];
	p0 =	sne.s32 s2, $0x0  }
0x1be: {  	s3 =	rddreg [dreg:$0x2];
	[bflag:$0x3] =	sbarrier.arrive $0xFFFF;
	s2 =	simm.s32 @!p0 $0x1C07  }
0x1bf: {  	[timem:s3], [sflag:s2] =	dma.local @!p0 [hbm:s0], s1  }
0x1c0: {  	s0 =	simm.s32 @!p0 $0x7  }
0x1c1: {  	_ =	swait.ge @!p0 [sflag:s0], s1  }
0x1c2: {  	s1 =	ssub.s32 @!p0 $0x0, s1;
	[sflag:s0] =	ssyncset.done @!p0 $0x0  }
0x1c3: {  	[sflag:s0] =	ssyncadd.s32 @!p0 s1  }
0x1c4: {  	[bflag:$0x3] =	sbarrier.arrive $0xFFFF  }
0x1c5: {  	_ =	shalt  }

</sc_bundles>
